<compile_context>
chip_gen: v7x
topology: tpu7x:2x2x1
jax: 0.10.2.dev20260603
libtpu: 0.0.44.dev20260713+nightly
codegen_flags: <defaults>
</compile_context>

<pallas_src>
import dataclasses
import functools

import jax
import jax.numpy as jnp
from jax import lax
from jax.experimental import pallas as pl
from jax.experimental.pallas import tpu as pltpu
from jax.experimental.pallas import tpu_sc as plsc

NC = 2
NS = 16
EPR = 128


def _mesh():
    return plsc.VectorSubcoreMesh(
        core_axis_name="c", subcore_axis_name="s", num_cores=NC, num_subcores=NS
    )


def _sc_degree(dst_r, r_pad, k0):
    k_steps = dst_r.shape[2]

    cp = pltpu.CompilerParams()
    if "needs_layout_passes" in pltpu.CompilerParams.__dataclass_fields__:
        cp = dataclasses.replace(cp, needs_layout_passes=False)

    @functools.partial(
        pl.kernel,
        compiler_params=cp,
        out_type=jax.ShapeDtypeStruct((NC * NS, r_pad), jnp.float32),
        mesh=_mesh(),
        scratch_types=[
            pltpu.VMEM((k_steps, EPR), jnp.int32),
            pltpu.VMEM((r_pad,), jnp.float32),
        ],
    )
    def deg_kernel(dst_hbm, out_hbm, dst_v, deg_v):
        cid = lax.axis_index("c")
        sid = lax.axis_index("s")
        k_local = jnp.where(cid == 0, k0, k_steps)
        pltpu.sync_copy(dst_hbm.at[cid, sid], dst_v)

        @pl.loop(0, r_pad // 16)
        def _(i):
            deg_v[pl.ds(i * 16, 16)] = jnp.zeros((16,), jnp.float32)

        ones = jnp.ones((16,), jnp.float32)

        def hist_row(j, _):
            for c in range(EPR // 16):
                v = dst_v[j, pl.ds(c * 16, 16)]
                plsc.addupdate_scatter(deg_v, [v], ones)
            return _

        lax.fori_loop(0, k_local, hist_row, 0)
        pltpu.sync_copy(deg_v, out_hbm.at[cid * NS + sid])

    return deg_kernel(dst_r)


def _sc_aggregate(g, src_r, dst_r, zeros_d, r_pad, rows_per_sub, k0):
    d = g.shape[1]
    k_steps = src_r.shape[2]

    @functools.partial(
        pl.kernel,
        out_type=jax.ShapeDtypeStruct((NC, r_pad, d), jnp.float32),
        mesh=_mesh(),
        scratch_types=[
            pltpu.VMEM((k_steps, EPR), jnp.int32),
            pltpu.VMEM((k_steps, EPR), jnp.int32),
            pltpu.VMEM((EPR, d), jnp.float32),
            pltpu.VMEM_SHARED((r_pad, d), jnp.float32),
        ],
    )
    def agg_kernel(g_hbm, src_hbm, dst_hbm, z_hbm, out_hbm,
                   src_v, dst_v, gbuf, acc_sh):
        cid = lax.axis_index("c")
        sid = lax.axis_index("s")
        k_local = jnp.where(cid == 0, k0, k_steps)
        row0 = sid * rows_per_sub
        pltpu.sync_copy(z_hbm, acc_sh.at[pl.ds(row0, rows_per_sub)])
        pltpu.sync_copy(src_hbm.at[cid, sid], src_v)
        pltpu.sync_copy(dst_hbm.at[cid, sid], dst_v)
        plsc.subcore_barrier()

        def agg_row(j, _):
            pltpu.sync_copy(g_hbm.at[src_v.at[j]], gbuf)
            pltpu.sync_copy(gbuf, acc_sh.at[dst_v.at[j]], add=True)
            return _

        lax.fori_loop(0, k_local, agg_row, 0)
        plsc.subcore_barrier()
        pltpu.sync_copy(
            acc_sh.at[pl.ds(row0, rows_per_sub)],
            out_hbm.at[cid, pl.ds(row0, rows_per_sub)],
        )

    return agg_kernel(g, src_r, dst_r, zeros_d)


def _dinv_of(pt):
    return lax.rsqrt(jnp.sum(pt, axis=1) + 1.0)


def _tc_g1(x, w1, pt, block_rows=2000):
    n, d_in = x.shape
    d_hid = w1.shape[1]
    nt = pt.shape[1]

    def body(x_ref, w_ref, pt_ref, g_ref):
        dinv = _dinv_of(pt_ref[...])
        h = jnp.dot(x_ref[...], w_ref[...],
                    preferred_element_type=jnp.float32,
                    precision=lax.Precision.HIGHEST)
        g_ref[...] = h * dinv[:, None]

    return pl.pallas_call(
        body,
        grid=(n // block_rows,),
        in_specs=[
            pl.BlockSpec((block_rows, d_in), lambda i: (i, 0)),
            pl.BlockSpec((d_in, d_hid), lambda i: (0, 0)),
            pl.BlockSpec((block_rows, nt), lambda i: (i, 0)),
        ],
        out_specs=pl.BlockSpec((block_rows, d_hid), lambda i: (i, 0)),
        out_shape=jax.ShapeDtypeStruct((n, d_hid), jnp.float32),
    )(x, w1, pt)


def _tc_mid(acc, g1, pt, b1, w2, block_rows=2000):
    n, d_hid = g1.shape
    d_out = w2.shape[1]
    nt = pt.shape[1]

    def body(a0_ref, a1_ref, g1_ref, pt_ref, b_ref, w_ref, g2_ref):
        dinv = _dinv_of(pt_ref[...])
        u = (a0_ref[...] + a1_ref[...] + g1_ref[...]) * dinv[:, None]
        u = jnp.maximum(u + b_ref[...], 0.0)
        h2 = jnp.dot(u, w_ref[...],
                     preferred_element_type=jnp.float32,
                     precision=lax.Precision.HIGHEST)
        g2_ref[...] = h2 * dinv[:, None]

    return pl.pallas_call(
        body,
        grid=(n // block_rows,),
        in_specs=[
            pl.BlockSpec((None, block_rows, d_hid), lambda i: (0, i, 0)),
            pl.BlockSpec((None, block_rows, d_hid), lambda i: (1, i, 0)),
            pl.BlockSpec((block_rows, d_hid), lambda i: (i, 0)),
            pl.BlockSpec((block_rows, nt), lambda i: (i, 0)),
            pl.BlockSpec((1, d_hid), lambda i: (0, 0)),
            pl.BlockSpec((d_hid, d_out), lambda i: (0, 0)),
        ],
        out_specs=pl.BlockSpec((block_rows, d_out), lambda i: (i, 0)),
        out_shape=jax.ShapeDtypeStruct((n, d_out), jnp.float32),
    )(acc, acc, g1, pt, b1.reshape(1, d_hid), w2)


def _tc_out(acc, g2, pt, b2, block_rows=2000):
    n, d_out = g2.shape
    nt = pt.shape[1]

    def body(a0_ref, a1_ref, g2_ref, pt_ref, b_ref, o_ref):
        dinv = _dinv_of(pt_ref[...])
        o_ref[...] = (a0_ref[...] + a1_ref[...] + g2_ref[...]) * dinv[:, None] \
            + b_ref[...]

    return pl.pallas_call(
        body,
        grid=(n // block_rows,),
        in_specs=[
            pl.BlockSpec((None, block_rows, d_out), lambda i: (0, i, 0)),
            pl.BlockSpec((None, block_rows, d_out), lambda i: (1, i, 0)),
            pl.BlockSpec((block_rows, d_out), lambda i: (i, 0)),
            pl.BlockSpec((block_rows, nt), lambda i: (i, 0)),
            pl.BlockSpec((1, d_out), lambda i: (0, 0)),
        ],
        out_specs=pl.BlockSpec((block_rows, d_out), lambda i: (i, 0)),
        out_shape=jax.ShapeDtypeStruct((n, d_out), jnp.float32),
    )(acc, acc, g2, pt, b2.reshape(1, d_out))


def kernel(x, edge_index, W1, b1, W2, b2):
    n = x.shape[0]
    e = edge_index.shape[1]
    ei = edge_index.astype(jnp.int32)

    frac0 = 0.40
    k_all = -(-e // (NS * EPR))
    k0 = max(1, int(round(k_all * frac0)))
    e0 = k0 * NS * EPR
    k_steps = -(-(e - e0) // (NS * EPR))
    kmax = max(k0, k_steps)
    def core_slab(flat_src, flat_dst, k):
        pad = k * NS * EPR - flat_src.shape[0]
        srcs = jnp.concatenate([flat_src, jnp.zeros((pad,), jnp.int32)])
        dsts = jnp.concatenate([flat_dst, jnp.full((pad,), n, jnp.int32)])
        srcs = srcs.reshape(NS, k, EPR)
        dsts = dsts.reshape(NS, k, EPR)
        if k < kmax:
            srcs = jnp.pad(srcs, ((0, 0), (0, kmax - k), (0, 0)))
            dsts = jnp.pad(dsts, ((0, 0), (0, kmax - k), (0, 0)),
                           constant_values=n)
        return srcs, dsts
    s0, d0 = core_slab(ei[0, :e0], ei[1, :e0], k0)
    s1, d1 = core_slab(ei[0, e0:], ei[1, e0:], k_steps)
    src_p = jnp.stack([s0, s1])
    dst_p = jnp.stack([d0, d1])

    rows_per_sub = -(-(n + 1) // NS)
    rows_per_sub = -(-rows_per_sub // 16) * 16
    r_pad = rows_per_sub * NS

    degp = _sc_degree(dst_p, r_pad, k0)
    pt = degp.T

    g1 = _tc_g1(x, W1, pt)

    d_hid = W1.shape[1]
    acc1 = _sc_aggregate(g1, src_p, dst_p,
                         jnp.zeros((rows_per_sub, d_hid), jnp.float32),
                         r_pad, rows_per_sub, k0)
    d_out = W2.shape[1]
    w2p = jnp.pad(W2, ((0, 0), (0, 128 - d_out)))
    b2p = jnp.pad(b2, (0, 128 - d_out))
    g2 = _tc_mid(acc1, g1, pt, b1, w2p)

    acc2 = _sc_aggregate(g2, src_p, dst_p,
                         jnp.zeros((rows_per_sub, 128), jnp.float32),
                         r_pad, rows_per_sub, k0)
    out = _tc_out(acc2, g2, pt, b2p)
    return out[:, :d_out]

# --- scband reference (transcript-rebuilt; emitter-appended) ---
"""Pipeline reference for scband-gcn-42640435315364 (READ-ONLY COPY).

The authoritative reference and input builder live on the scoring server;
editing this copy changes nothing except your own understanding.
"""

import jax, jax.numpy as jnp
import numpy as np

N_NODES = 10000
D_IN = 128
D_HID = 128
D_OUT = 64  # hidden_dim // 2
N_EDGES = 320000


def gcn_conv(x, edge_index, W, b, num_nodes):
    # GCNConv: out = D^{-1/2} (A + I) D^{-1/2} X W + b
    src = edge_index[0]
    dst = edge_index[1]
    loop = jnp.arange(num_nodes, dtype=edge_index.dtype)
    src = jnp.concatenate([src, loop])
    dst = jnp.concatenate([dst, loop])
    # degree computed on destination (col) with unit edge weights
    deg = jnp.zeros((num_nodes,), dtype=x.dtype).at[dst].add(1.0)
    deg_inv_sqrt = jnp.where(deg > 0, jax.lax.rsqrt(deg), 0.0)
    norm = deg_inv_sqrt[src] * deg_inv_sqrt[dst]
    h = x @ W
    msg = h[src] * norm[:, None]
    out = jax.ops.segment_sum(msg, dst, num_segments=num_nodes)
    return out + b


def setup_inputs(seed: int = 0) -> dict:
    key = jax.random.key(seed)
    k1, k2, k3, k4, k5, k6 = jax.random.split(key, 6)
    x = jax.random.normal(k1, (N_NODES, D_IN), dtype=jnp.float32)
    edge_index = jax.random.randint(k2, (2, N_EDGES), 0, N_NODES, dtype=jnp.int64)
    s1 = 1.0 / np.sqrt(D_IN)
    s2 = 1.0 / np.sqrt(D_HID)
    W1 = jax.random.uniform(k3, (D_IN, D_HID), dtype=jnp.float32, minval=-s1, maxval=s1)
    b1 = jnp.zeros((D_HID,), dtype=jnp.float32)
    W2 = jax.random.uniform(k4, (D_HID, D_OUT), dtype=jnp.float32, minval=-s2, maxval=s2)
    b2 = jnp.zeros((D_OUT,), dtype=jnp.float32)
    return {"x": x, "edge_index": edge_index, "W1": W1, "b1": b1, "W2": W2, "b2": b2}


def reference(x, edge_index, W1, b1, W2, b2):
    num_nodes = x.shape[0]
    h = gcn_conv(x, edge_index, W1, b1, num_nodes)
    h = jax.nn.relu(h)
    # dropout is identity in eval mode
    out = gcn_conv(h, edge_index, W2, b2, num_nodes)
    return out

if __name__ == "__main__":
    import jax
    _d = setup_inputs()
    print(jax.jit(kernel)(*tuple(_d.values())))

</pallas_src>

<mosaic_0001>
#map = affine_map<(d0, d1) -> (0, 0, 0, 0)>
#map1 = affine_map<(d0, d1) -> (0, 0)>
module attributes {stable_mosaic.version = 14 : i64} {
  func.func @deg_kernel(%arg0: i32, %arg1: i32, %arg2: memref<2x16x94x128xi32, #tpu.memory_space<hbm>>, %arg3: memref<32x10240xf32, #tpu.memory_space<hbm>>, %arg4: memref<94x128xi32, #tpu.memory_space<vmem>>, %arg5: memref<10240xf32, #tpu.memory_space<vmem>>) attributes {dimension_semantics = [#tpu.dimension_semantics<core_parallel>, #tpu.dimension_semantics<subcore_parallel>], iteration_bounds = array<i64: 2, 16>, scalar_prefetch = 0 : i64, scratch_operands = 2 : i64, tpu.core_type = #tpu.core_type<sc_vector_subcore>, window_params = [{transform_indices = #map}, {transform_indices = #map1}]} {
    %eq3A = arith.constant 0 : i32
    %eq3A_0 = arith.cmpi eq, %arg0, %eq3A : i32
    %jit3A = arith.constant 63 : i32
    %jit3A_1 = arith.constant 94 : i32
    %select_n3A = arith.select %eq3A_0, %jit3A, %jit3A_1 : i32
    "tpu.region"() ({
      %run_scoped3A = tpu.sem_alloc : memref<!tpu.dma_semaphore, #tpu.memory_space<semaphore_mem>>
      %dma_start3A = arith.constant 0 : i32
      %dma_start3A_17 = arith.constant 0 : i32
      %dma_start3A_18 = tpu.memref_slice %arg2[%arg0, %arg1, %dma_start3A, %dma_start3A_17] : memref<2x16x94x128xi32, #tpu.memory_space<hbm>> -> memref<1x1x94x128xi32, #tpu.memory_space<hbm>>
      %dma_start3A_19 = tpu.memref_squeeze %dma_start3A_18 : memref<1x1x94x128xi32, #tpu.memory_space<hbm>> -> memref<94x128xi32, #tpu.memory_space<hbm>>
      %dma_start3A_20 = arith.constant 0 : i32
      %dma_start3A_21 = arith.constant 0 : i32
      %dma_start3A_22 = tpu.memref_slice %arg2[%arg0, %arg1, %dma_start3A_20, %dma_start3A_21] : memref<2x16x94x128xi32, #tpu.memory_space<hbm>> -> memref<1x1x94x128xi32, #tpu.memory_space<hbm>>
      %dma_start3A_23 = tpu.memref_squeeze %dma_start3A_22 : memref<1x1x94x128xi32, #tpu.memory_space<hbm>> -> memref<94x128xi32, #tpu.memory_space<hbm>>
      tpu.enqueue_dma source(%dma_start3A_23 : memref<94x128xi32, #tpu.memory_space<hbm>>) target(%arg4 : memref<94x128xi32, #tpu.memory_space<vmem>>) target_semaphore(%run_scoped3A : memref<!tpu.dma_semaphore, #tpu.memory_space<semaphore_mem>>)
      %dma_wait3A = arith.constant 0 : i32
      %dma_wait3A_24 = arith.constant 0 : i32
      %dma_wait3A_25 = tpu.memref_slice %arg2[%arg0, %arg1, %dma_wait3A, %dma_wait3A_24] : memref<2x16x94x128xi32, #tpu.memory_space<hbm>> -> memref<1x1x94x128xi32, #tpu.memory_space<hbm>>
      %dma_wait3A_26 = tpu.memref_squeeze %dma_wait3A_25 : memref<1x1x94x128xi32, #tpu.memory_space<hbm>> -> memref<94x128xi32, #tpu.memory_space<hbm>>
      %dma_wait3A_27 = arith.constant 0 : i32
      %dma_wait3A_28 = arith.constant 0 : i32
      %dma_wait3A_29 = tpu.memref_slice %arg2[%arg0, %arg1, %dma_wait3A_27, %dma_wait3A_28] : memref<2x16x94x128xi32, #tpu.memory_space<hbm>> -> memref<1x1x94x128xi32, #tpu.memory_space<hbm>>
      %dma_wait3A_30 = tpu.memref_squeeze %dma_wait3A_29 : memref<1x1x94x128xi32, #tpu.memory_space<hbm>> -> memref<94x128xi32, #tpu.memory_space<hbm>>
      tpu.wait_dma2 semaphore(%run_scoped3A : memref<!tpu.dma_semaphore, #tpu.memory_space<semaphore_mem>>) src(%dma_wait3A_30 : memref<94x128xi32, #tpu.memory_space<hbm>>) dst(%arg4 : memref<94x128xi32, #tpu.memory_space<vmem>>)
      tpu.yield
    }) : () -> ()
    %scan3A = arith.constant 0 : i32
    %scan3A_2 = arith.constant 640 : i32
    %scan3A_3 = arith.addi %scan3A, %scan3A_2 : i32
    %scan3A_4 = arith.constant 1 : i32
    scf.for %scan3A_17 = %scan3A to %scan3A_3 step %scan3A_4  : i32 {
      %mul3A_18 = arith.constant 1 : i32
      %mul3A_19 = arith.muli %scan3A_17, %mul3A_18 : i32
      %add3A_20 = arith.constant 0 : i32
      %add3A_21 = arith.addi %add3A_20, %mul3A_19 : i32
      %broadcast_in_dim3A_22 = arith.constant 0.000000e+00 : f32
      %broadcast_in_dim3A_23 = vector.broadcast %broadcast_in_dim3A_22 : f32 to vector<16xf32>
      %mul3A_24 = arith.constant 16 : i32
      %mul3A_25 = arith.muli %add3A_21, %mul3A_24 : i32
      %swap3A = arith.index_cast %mul3A_25 : i32 to index
      %swap3A_26 = tpu.vector_load %arg5[%swap3A] {strides = array<i32>} : memref<10240xf32, #tpu.memory_space<vmem>>, vector<16xf32>,
      tpu.vector_store %arg5[%swap3A], %broadcast_in_dim3A_23 {strides = array<i32>} : memref<10240xf32, #tpu.memory_space<vmem>>, vector<16xf32>,
    }
    %scan3A_5 = arith.constant 640 : i32
    %broadcast_in_dim3A = arith.constant 1.000000e+00 : f32
    %broadcast_in_dim3A_6 = vector.broadcast %broadcast_in_dim3A : f32 to vector<16xf32>
    %while3A = arith.constant 0 : i32
    %while3A_7 = arith.constant 0 : i32
    %while3A_8 = arith.subi %select_n3A, %while3A_7 : i32
    %while3A_9 = arith.addi %while3A_7, %while3A_8 : i32
    %while3A_10 = arith.constant 1 : i32
    %while3A_11 = arith.divsi %while3A_8, %while3A_10 : i32
    %while3A_12 = arith.muli %while3A_11, %while3A_10 : i32
    %while3A_13 = arith.addi %while3A_7, %while3A_12 : i32
    %while3A_14 = arith.constant 1 : i32
    scf.for %while3A_17 = %while3A_7 to %while3A_13 step %while3A_14  : i32 {
      %get3A = arith.index_cast %while3A_17 : i32 to index
      %get3A_18 = arith.constant 0 : index
      %get3A_19 = tpu.vector_load %arg4[%get3A, %get3A_18] {strides = array<i32>} : memref<94x128xi32, #tpu.memory_space<vmem>>, vector<16xi32>,
      tpu.vector_store_idx %arg5[%get3A_19], %broadcast_in_dim3A_6 {add = true} : memref<10240xf32, #tpu.memory_space<vmem>>[vector<16xi32>], vector<16xf32>,
      %get3A_20 = arith.index_cast %while3A_17 : i32 to index
      %get3A_21 = arith.constant 16 : index
      %get3A_22 = tpu.vector_load %arg4[%get3A_20, %get3A_21] {strides = array<i32>} : memref<94x128xi32, #tpu.memory_space<vmem>>, vector<16xi32>,
      tpu.vector_store_idx %arg5[%get3A_22], %broadcast_in_dim3A_6 {add = true} : memref<10240xf32, #tpu.memory_space<vmem>>[vector<16xi32>], vector<16xf32>,
      %get3A_23 = arith.index_cast %while3A_17 : i32 to index
      %get3A_24 = arith.constant 32 : index
      %get3A_25 = tpu.vector_load %arg4[%get3A_23, %get3A_24] {strides = array<i32>} : memref<94x128xi32, #tpu.memory_space<vmem>>, vector<16xi32>,
      tpu.vector_store_idx %arg5[%get3A_25], %broadcast_in_dim3A_6 {add = true} : memref<10240xf32, #tpu.memory_space<vmem>>[vector<16xi32>], vector<16xf32>,
      %get3A_26 = arith.index_cast %while3A_17 : i32 to index
      %get3A_27 = arith.constant 48 : index
      %get3A_28 = tpu.vector_load %arg4[%get3A_26, %get3A_27] {strides = array<i32>} : memref<94x128xi32, #tpu.memory_space<vmem>>, vector<16xi32>,
      tpu.vector_store_idx %arg5[%get3A_28], %broadcast_in_dim3A_6 {add = true} : memref<10240xf32, #tpu.memory_space<vmem>>[vector<16xi32>], vector<16xf32>,
      %get3A_29 = arith.index_cast %while3A_17 : i32 to index
      %get3A_30 = arith.constant 64 : index
      %get3A_31 = tpu.vector_load %arg4[%get3A_29, %get3A_30] {strides = array<i32>} : memref<94x128xi32, #tpu.memory_space<vmem>>, vector<16xi32>,
      tpu.vector_store_idx %arg5[%get3A_31], %broadcast_in_dim3A_6 {add = true} : memref<10240xf32, #tpu.memory_space<vmem>>[vector<16xi32>], vector<16xf32>,
      %get3A_32 = arith.index_cast %while3A_17 : i32 to index
      %get3A_33 = arith.constant 80 : index
      %get3A_34 = tpu.vector_load %arg4[%get3A_32, %get3A_33] {strides = array<i32>} : memref<94x128xi32, #tpu.memory_space<vmem>>, vector<16xi32>,
      tpu.vector_store_idx %arg5[%get3A_34], %broadcast_in_dim3A_6 {add = true} : memref<10240xf32, #tpu.memory_space<vmem>>[vector<16xi32>], vector<16xf32>,
      %get3A_35 = arith.index_cast %while3A_17 : i32 to index
      %get3A_36 = arith.constant 96 : index
      %get3A_37 = tpu.vector_load %arg4[%get3A_35, %get3A_36] {strides = array<i32>} : memref<94x128xi32, #tpu.memory_space<vmem>>, vector<16xi32>,
      tpu.vector_store_idx %arg5[%get3A_37], %broadcast_in_dim3A_6 {add = true} : memref<10240xf32, #tpu.memory_space<vmem>>[vector<16xi32>], vector<16xf32>,
      %get3A_38 = arith.index_cast %while3A_17 : i32 to index
      %get3A_39 = arith.constant 112 : index
      %get3A_40 = tpu.vector_load %arg4[%get3A_38, %get3A_39] {strides = array<i32>} : memref<94x128xi32, #tpu.memory_space<vmem>>, vector<16xi32>,
      tpu.vector_store_idx %arg5[%get3A_40], %broadcast_in_dim3A_6 {add = true} : memref<10240xf32, #tpu.memory_space<vmem>>[vector<16xi32>], vector<16xf32>,
    }
    %while3A_15 = arith.constant 1 : i32
    scf.for %while3A_17 = %while3A_13 to %while3A_9 step %while3A_15  : i32 {
      %get3A = arith.index_cast %while3A_17 : i32 to index
      %get3A_18 = arith.constant 0 : index
      %get3A_19 = tpu.vector_load %arg4[%get3A, %get3A_18] {strides = array<i32>} : memref<94x128xi32, #tpu.memory_space<vmem>>, vector<16xi32>,
      tpu.vector_store_idx %arg5[%get3A_19], %broadcast_in_dim3A_6 {add = true} : memref<10240xf32, #tpu.memory_space<vmem>>[vector<16xi32>], vector<16xf32>,
      %get3A_20 = arith.index_cast %while3A_17 : i32 to index
      %get3A_21 = arith.constant 16 : index
      %get3A_22 = tpu.vector_load %arg4[%get3A_20, %get3A_21] {strides = array<i32>} : memref<94x128xi32, #tpu.memory_space<vmem>>, vector<16xi32>,
      tpu.vector_store_idx %arg5[%get3A_22], %broadcast_in_dim3A_6 {add = true} : memref<10240xf32, #tpu.memory_space<vmem>>[vector<16xi32>], vector<16xf32>,
      %get3A_23 = arith.index_cast %while3A_17 : i32 to index
      %get3A_24 = arith.constant 32 : index
      %get3A_25 = tpu.vector_load %arg4[%get3A_23, %get3A_24] {strides = array<i32>} : memref<94x128xi32, #tpu.memory_space<vmem>>, vector<16xi32>,
      tpu.vector_store_idx %arg5[%get3A_25], %broadcast_in_dim3A_6 {add = true} : memref<10240xf32, #tpu.memory_space<vmem>>[vector<16xi32>], vector<16xf32>,
      %get3A_26 = arith.index_cast %while3A_17 : i32 to index
      %get3A_27 = arith.constant 48 : index
      %get3A_28 = tpu.vector_load %arg4[%get3A_26, %get3A_27] {strides = array<i32>} : memref<94x128xi32, #tpu.memory_space<vmem>>, vector<16xi32>,
      tpu.vector_store_idx %arg5[%get3A_28], %broadcast_in_dim3A_6 {add = true} : memref<10240xf32, #tpu.memory_space<vmem>>[vector<16xi32>], vector<16xf32>,
      %get3A_29 = arith.index_cast %while3A_17 : i32 to index
      %get3A_30 = arith.constant 64 : index
      %get3A_31 = tpu.vector_load %arg4[%get3A_29, %get3A_30] {strides = array<i32>} : memref<94x128xi32, #tpu.memory_space<vmem>>, vector<16xi32>,
      tpu.vector_store_idx %arg5[%get3A_31], %broadcast_in_dim3A_6 {add = true} : memref<10240xf32, #tpu.memory_space<vmem>>[vector<16xi32>], vector<16xf32>,
      %get3A_32 = arith.index_cast %while3A_17 : i32 to index
      %get3A_33 = arith.constant 80 : index
      %get3A_34 = tpu.vector_load %arg4[%get3A_32, %get3A_33] {strides = array<i32>} : memref<94x128xi32, #tpu.memory_space<vmem>>, vector<16xi32>,
      tpu.vector_store_idx %arg5[%get3A_34], %broadcast_in_dim3A_6 {add = true} : memref<10240xf32, #tpu.memory_space<vmem>>[vector<16xi32>], vector<16xf32>,
      %get3A_35 = arith.index_cast %while3A_17 : i32 to index
      %get3A_36 = arith.constant 96 : index
      %get3A_37 = tpu.vector_load %arg4[%get3A_35, %get3A_36] {strides = array<i32>} : memref<94x128xi32, #tpu.memory_space<vmem>>, vector<16xi32>,
      tpu.vector_store_idx %arg5[%get3A_37], %broadcast_in_dim3A_6 {add = true} : memref<10240xf32, #tpu.memory_space<vmem>>[vector<16xi32>], vector<16xf32>,
      %get3A_38 = arith.index_cast %while3A_17 : i32 to index
      %get3A_39 = arith.constant 112 : index
      %get3A_40 = tpu.vector_load %arg4[%get3A_38, %get3A_39] {strides = array<i32>} : memref<94x128xi32, #tpu.memory_space<vmem>>, vector<16xi32>,
      tpu.vector_store_idx %arg5[%get3A_40], %broadcast_in_dim3A_6 {add = true} : memref<10240xf32, #tpu.memory_space<vmem>>[vector<16xi32>], vector<16xf32>,
    }
    %mul3A = arith.constant 16 : i32
    %mul3A_16 = arith.muli %arg0, %mul3A : i32
    %add3A = arith.addi %mul3A_16, %arg1 : i32
    "tpu.region"() ({
      %run_scoped3A = tpu.sem_alloc : memref<!tpu.dma_semaphore, #tpu.memory_space<semaphore_mem>>
      %dma_start3A = arith.constant 0 : i32
      %dma_start3A_17 = tpu.memref_slice %arg3[%add3A, %dma_start3A] : memref<32x10240xf32, #tpu.memory_space<hbm>> -> memref<1x10240xf32, #tpu.memory_space<hbm>>
      %dma_start3A_18 = tpu.memref_squeeze %dma_start3A_17 : memref<1x10240xf32, #tpu.memory_space<hbm>> -> memref<10240xf32, #tpu.memory_space<hbm>>
      %dma_start3A_19 = arith.constant 0 : i32
      %dma_start3A_20 = tpu.memref_slice %arg3[%add3A, %dma_start3A_19] : memref<32x10240xf32, #tpu.memory_space<hbm>> -> memref<1x10240xf32, #tpu.memory_space<hbm>>
      %dma_start3A_21 = tpu.memref_squeeze %dma_start3A_20 : memref<1x10240xf32, #tpu.memory_space<hbm>> -> memref<10240xf32, #tpu.memory_space<hbm>>
      tpu.enqueue_dma source(%arg5 : memref<10240xf32, #tpu.memory_space<vmem>>) target(%dma_start3A_21 : memref<10240xf32, #tpu.memory_space<hbm>>) target_semaphore(%run_scoped3A : memref<!tpu.dma_semaphore, #tpu.memory_space<semaphore_mem>>)
      %dma_wait3A = arith.constant 0 : i32
      %dma_wait3A_22 = tpu.memref_slice %arg3[%add3A, %dma_wait3A] : memref<32x10240xf32, #tpu.memory_space<hbm>> -> memref<1x10240xf32, #tpu.memory_space<hbm>>
      %dma_wait3A_23 = tpu.memref_squeeze %dma_wait3A_22 : memref<1x10240xf32, #tpu.memory_space<hbm>> -> memref<10240xf32, #tpu.memory_space<hbm>>
      %dma_wait3A_24 = arith.constant 0 : i32
      %dma_wait3A_25 = tpu.memref_slice %arg3[%add3A, %dma_wait3A_24] : memref<32x10240xf32, #tpu.memory_space<hbm>> -> memref<1x10240xf32, #tpu.memory_space<hbm>>
      %dma_wait3A_26 = tpu.memref_squeeze %dma_wait3A_25 : memref<1x10240xf32, #tpu.memory_space<hbm>> -> memref<10240xf32, #tpu.memory_space<hbm>>
      tpu.wait_dma2 semaphore(%run_scoped3A : memref<!tpu.dma_semaphore, #tpu.memory_space<semaphore_mem>>) src(%arg5 : memref<10240xf32, #tpu.memory_space<vmem>>) dst(%dma_wait3A_26 : memref<10240xf32, #tpu.memory_space<hbm>>)
      tpu.yield
    }) : () -> ()
    return
  }
}

#map = affine_map<(d0, d1) -> (0, 0)>
#map1 = affine_map<(d0, d1) -> (0, 0, 0, 0)>
#map2 = affine_map<(d0, d1) -> (0, 0, 0)>
module attributes {stable_mosaic.version = 14 : i64} {
  func.func @agg_kernel(%arg0: i32, %arg1: i32, %arg2: memref<10000x128xf32, #tpu.memory_space<hbm>>, %arg3: memref<2x16x94x128xi32, #tpu.memory_space<hbm>>, %arg4: memref<2x16x94x128xi32, #tpu.memory_space<hbm>>, %arg5: memref<640x128xf32, #tpu.memory_space<hbm>>, %arg6: memref<2x10240x128xf32, #tpu.memory_space<hbm>>, %arg7: memref<94x128xi32, #tpu.memory_space<vmem>>, %arg8: memref<94x128xi32, #tpu.memory_space<vmem>>, %arg9: memref<128x128xf32, #tpu.memory_space<vmem>>, %arg10: memref<10240x128xf32, #tpu.memory_space<vmem_shared>>) attributes {dimension_semantics = [#tpu.dimension_semantics<core_parallel>, #tpu.dimension_semantics<subcore_parallel>], iteration_bounds = array<i64: 2, 16>, scalar_prefetch = 0 : i64, scratch_operands = 4 : i64, tpu.core_type = #tpu.core_type<sc_vector_subcore>, window_params = [{transform_indices = #map}, {transform_indices = #map1}, {transform_indices = #map1}, {transform_indices = #map}, {transform_indices = #map2}]} {
    %eq3A = arith.constant 0 : i32
    %eq3A_0 = arith.cmpi eq, %arg0, %eq3A : i32
    %jit3A = arith.constant 63 : i32
    %jit3A_1 = arith.constant 94 : i32
    %select_n3A = arith.select %eq3A_0, %jit3A, %jit3A_1 : i32
    %mul3A = arith.constant 640 : i32
    %mul3A_2 = arith.muli %arg1, %mul3A : i32
    "tpu.region"() ({
      %run_scoped3A = tpu.sem_alloc : memref<!tpu.dma_semaphore, #tpu.memory_space<semaphore_mem>>
      %dma_start3A = arith.constant 0 : i32
      %dma_start3A_13 = tpu.memref_slice %arg10[%mul3A_2, %dma_start3A] : memref<10240x128xf32, #tpu.memory_space<vmem_shared>> -> memref<640x128xf32, #tpu.memory_space<vmem_shared>>
      tpu.enqueue_dma source(%arg5 : memref<640x128xf32, #tpu.memory_space<hbm>>) target(%dma_start3A_13 : memref<640x128xf32, #tpu.memory_space<vmem_shared>>) target_semaphore(%run_scoped3A : memref<!tpu.dma_semaphore, #tpu.memory_space<semaphore_mem>>)
      %dma_wait3A = arith.constant 0 : i32
      %dma_wait3A_14 = tpu.memref_slice %arg10[%mul3A_2, %dma_wait3A] : memref<10240x128xf32, #tpu.memory_space<vmem_shared>> -> memref<640x128xf32, #tpu.memory_space<vmem_shared>>
      tpu.wait_dma2 semaphore(%run_scoped3A : memref<!tpu.dma_semaphore, #tpu.memory_space<semaphore_mem>>) src(%arg5 : memref<640x128xf32, #tpu.memory_space<hbm>>) dst(%dma_wait3A_14 : memref<640x128xf32, #tpu.memory_space<vmem_shared>>)
      tpu.yield
    }) : () -> ()
    "tpu.region"() ({
      %run_scoped3A = tpu.sem_alloc : memref<!tpu.dma_semaphore, #tpu.memory_space<semaphore_mem>>
      %dma_start3A = arith.constant 0 : i32
      %dma_start3A_13 = arith.constant 0 : i32
      %dma_start3A_14 = tpu.memref_slice %arg3[%arg0, %arg1, %dma_start3A, %dma_start3A_13] : memref<2x16x94x128xi32, #tpu.memory_space<hbm>> -> memref<1x1x94x128xi32, #tpu.memory_space<hbm>>
      %dma_start3A_15 = tpu.memref_squeeze %dma_start3A_14 : memref<1x1x94x128xi32, #tpu.memory_space<hbm>> -> memref<94x128xi32, #tpu.memory_space<hbm>>
      %dma_start3A_16 = arith.constant 0 : i32
      %dma_start3A_17 = arith.constant 0 : i32
      %dma_start3A_18 = tpu.memref_slice %arg3[%arg0, %arg1, %dma_start3A_16, %dma_start3A_17] : memref<2x16x94x128xi32, #tpu.memory_space<hbm>> -> memref<1x1x94x128xi32, #tpu.memory_space<hbm>>
      %dma_start3A_19 = tpu.memref_squeeze %dma_start3A_18 : memref<1x1x94x128xi32, #tpu.memory_space<hbm>> -> memref<94x128xi32, #tpu.memory_space<hbm>>
      tpu.enqueue_dma source(%dma_start3A_19 : memref<94x128xi32, #tpu.memory_space<hbm>>) target(%arg7 : memref<94x128xi32, #tpu.memory_space<vmem>>) target_semaphore(%run_scoped3A : memref<!tpu.dma_semaphore, #tpu.memory_space<semaphore_mem>>)
      %dma_wait3A = arith.constant 0 : i32
      %dma_wait3A_20 = arith.constant 0 : i32
      %dma_wait3A_21 = tpu.memref_slice %arg3[%arg0, %arg1, %dma_wait3A, %dma_wait3A_20] : memref<2x16x94x128xi32, #tpu.memory_space<hbm>> -> memref<1x1x94x128xi32, #tpu.memory_space<hbm>>
      %dma_wait3A_22 = tpu.memref_squeeze %dma_wait3A_21 : memref<1x1x94x128xi32, #tpu.memory_space<hbm>> -> memref<94x128xi32, #tpu.memory_space<hbm>>
      %dma_wait3A_23 = arith.constant 0 : i32
      %dma_wait3A_24 = arith.constant 0 : i32
      %dma_wait3A_25 = tpu.memref_slice %arg3[%arg0, %arg1, %dma_wait3A_23, %dma_wait3A_24] : memref<2x16x94x128xi32, #tpu.memory_space<hbm>> -> memref<1x1x94x128xi32, #tpu.memory_space<hbm>>
      %dma_wait3A_26 = tpu.memref_squeeze %dma_wait3A_25 : memref<1x1x94x128xi32, #tpu.memory_space<hbm>> -> memref<94x128xi32, #tpu.memory_space<hbm>>
      tpu.wait_dma2 semaphore(%run_scoped3A : memref<!tpu.dma_semaphore, #tpu.memory_space<semaphore_mem>>) src(%dma_wait3A_26 : memref<94x128xi32, #tpu.memory_space<hbm>>) dst(%arg7 : memref<94x128xi32, #tpu.memory_space<vmem>>)
      tpu.yield
    }) : () -> ()
    "tpu.region"() ({
      %run_scoped3A = tpu.sem_alloc : memref<!tpu.dma_semaphore, #tpu.memory_space<semaphore_mem>>
      %dma_start3A = arith.constant 0 : i32
      %dma_start3A_13 = arith.constant 0 : i32
      %dma_start3A_14 = tpu.memref_slice %arg4[%arg0, %arg1, %dma_start3A, %dma_start3A_13] : memref<2x16x94x128xi32, #tpu.memory_space<hbm>> -> memref<1x1x94x128xi32, #tpu.memory_space<hbm>>
      %dma_start3A_15 = tpu.memref_squeeze %dma_start3A_14 : memref<1x1x94x128xi32, #tpu.memory_space<hbm>> -> memref<94x128xi32, #tpu.memory_space<hbm>>
      %dma_start3A_16 = arith.constant 0 : i32
      %dma_start3A_17 = arith.constant 0 : i32
      %dma_start3A_18 = tpu.memref_slice %arg4[%arg0, %arg1, %dma_start3A_16, %dma_start3A_17] : memref<2x16x94x128xi32, #tpu.memory_space<hbm>> -> memref<1x1x94x128xi32, #tpu.memory_space<hbm>>
      %dma_start3A_19 = tpu.memref_squeeze %dma_start3A_18 : memref<1x1x94x128xi32, #tpu.memory_space<hbm>> -> memref<94x128xi32, #tpu.memory_space<hbm>>
      tpu.enqueue_dma source(%dma_start3A_19 : memref<94x128xi32, #tpu.memory_space<hbm>>) target(%arg8 : memref<94x128xi32, #tpu.memory_space<vmem>>) target_semaphore(%run_scoped3A : memref<!tpu.dma_semaphore, #tpu.memory_space<semaphore_mem>>)
      %dma_wait3A = arith.constant 0 : i32
      %dma_wait3A_20 = arith.constant 0 : i32
      %dma_wait3A_21 = tpu.memref_slice %arg4[%arg0, %arg1, %dma_wait3A, %dma_wait3A_20] : memref<2x16x94x128xi32, #tpu.memory_space<hbm>> -> memref<1x1x94x128xi32, #tpu.memory_space<hbm>>
      %dma_wait3A_22 = tpu.memref_squeeze %dma_wait3A_21 : memref<1x1x94x128xi32, #tpu.memory_space<hbm>> -> memref<94x128xi32, #tpu.memory_space<hbm>>
      %dma_wait3A_23 = arith.constant 0 : i32
      %dma_wait3A_24 = arith.constant 0 : i32
      %dma_wait3A_25 = tpu.memref_slice %arg4[%arg0, %arg1, %dma_wait3A_23, %dma_wait3A_24] : memref<2x16x94x128xi32, #tpu.memory_space<hbm>> -> memref<1x1x94x128xi32, #tpu.memory_space<hbm>>
      %dma_wait3A_26 = tpu.memref_squeeze %dma_wait3A_25 : memref<1x1x94x128xi32, #tpu.memory_space<hbm>> -> memref<94x128xi32, #tpu.memory_space<hbm>>
      tpu.wait_dma2 semaphore(%run_scoped3A : memref<!tpu.dma_semaphore, #tpu.memory_space<semaphore_mem>>) src(%dma_wait3A_26 : memref<94x128xi32, #tpu.memory_space<hbm>>) dst(%arg8 : memref<94x128xi32, #tpu.memory_space<vmem>>)
      tpu.yield
    }) : () -> ()
    %barrier3A = arith.constant 0 : index
    tpu.barrier barrier_id(%barrier3A)
    %while3A = arith.constant 0 : i32
    %while3A_3 = arith.constant 0 : i32
    %while3A_4 = arith.subi %select_n3A, %while3A_3 : i32
    %while3A_5 = arith.addi %while3A_3, %while3A_4 : i32
    %while3A_6 = arith.constant 1 : i32
    %while3A_7 = arith.divsi %while3A_4, %while3A_6 : i32
    %while3A_8 = arith.muli %while3A_7, %while3A_6 : i32
    %while3A_9 = arith.addi %while3A_3, %while3A_8 : i32
    %while3A_10 = arith.constant 1 : i32
    scf.for %while3A_13 = %while3A_3 to %while3A_9 step %while3A_10  : i32 {
      "tpu.region"() ({
        %run_scoped3A = tpu.sem_alloc : memref<!tpu.dma_semaphore, #tpu.memory_space<semaphore_mem>>
        %dma_start3A = arith.constant 0 : i32
        %dma_start3A_14 = tpu.memref_slice %arg7[%while3A_13, %dma_start3A] : memref<94x128xi32, #tpu.memory_space<vmem>> -> memref<1x128xi32, #tpu.memory_space<vmem>>
        %dma_start3A_15 = tpu.memref_squeeze %dma_start3A_14 : memref<1x128xi32, #tpu.memory_space<vmem>> -> memref<128xi32, #tpu.memory_space<vmem>>
        %dma_start3A_16 = arith.constant 0 : i32
        %dma_start3A_17 = arith.constant 0 : i32
        %dma_start3A_18 = tpu.memref_slice %arg2[%dma_start3A_16, %dma_start3A_17] : memref<10000x128xf32, #tpu.memory_space<hbm>> -> memref<10000x128xf32, #tpu.memory_space<hbm>>
        tpu.enqueue_indirect_dma source(%dma_start3A_18 : memref<10000x128xf32, #tpu.memory_space<hbm>>) target(%arg9 : memref<128x128xf32, #tpu.memory_space<vmem>>) offsets(%dma_start3A_15 : memref<128xi32, #tpu.memory_space<vmem>>) semaphore(%run_scoped3A : memref<!tpu.dma_semaphore, #tpu.memory_space<semaphore_mem>>)
        %dma_wait3A = arith.constant 0 : i32
        %dma_wait3A_19 = tpu.memref_slice %arg7[%while3A_13, %dma_wait3A] : memref<94x128xi32, #tpu.memory_space<vmem>> -> memref<1x128xi32, #tpu.memory_space<vmem>>
        %dma_wait3A_20 = tpu.memref_squeeze %dma_wait3A_19 : memref<1x128xi32, #tpu.memory_space<vmem>> -> memref<128xi32, #tpu.memory_space<vmem>>
        %dma_wait3A_21 = arith.constant 0 : i32
        %dma_wait3A_22 = arith.constant 0 : i32
        %dma_wait3A_23 = tpu.memref_slice %arg2[%dma_wait3A_21, %dma_wait3A_22] : memref<10000x128xf32, #tpu.memory_space<hbm>> -> memref<10000x128xf32, #tpu.memory_space<hbm>>
        tpu.wait_indirect_dma semaphore(%run_scoped3A : memref<!tpu.dma_semaphore, #tpu.memory_space<semaphore_mem>>) src(%dma_wait3A_23 : memref<10000x128xf32, #tpu.memory_space<hbm>>) dst(%arg9 : memref<128x128xf32, #tpu.memory_space<vmem>>)
        tpu.yield
      }) : () -> ()
      "tpu.region"() ({
        %run_scoped3A = tpu.sem_alloc : memref<!tpu.dma_semaphore, #tpu.memory_space<semaphore_mem>>
        %dma_start3A = arith.constant 0 : i32
        %dma_start3A_14 = tpu.memref_slice %arg8[%while3A_13, %dma_start3A] : memref<94x128xi32, #tpu.memory_space<vmem>> -> memref<1x128xi32, #tpu.memory_space<vmem>>
        %dma_start3A_15 = tpu.memref_squeeze %dma_start3A_14 : memref<1x128xi32, #tpu.memory_space<vmem>> -> memref<128xi32, #tpu.memory_space<vmem>>
        %dma_start3A_16 = arith.constant 0 : i32
        %dma_start3A_17 = arith.constant 0 : i32
        %dma_start3A_18 = tpu.memref_slice %arg10[%dma_start3A_16, %dma_start3A_17] : memref<10240x128xf32, #tpu.memory_space<vmem_shared>> -> memref<10240x128xf32, #tpu.memory_space<vmem_shared>>
        tpu.enqueue_indirect_dma source(%arg9 : memref<128x128xf32, #tpu.memory_space<vmem>>) target(%dma_start3A_18 : memref<10240x128xf32, #tpu.memory_space<vmem_shared>>) offsets(%dma_start3A_15 : memref<128xi32, #tpu.memory_space<vmem>>) semaphore(%run_scoped3A : memref<!tpu.dma_semaphore, #tpu.memory_space<semaphore_mem>>) {add = true}
        %dma_wait3A = arith.constant 0 : i32
        %dma_wait3A_19 = tpu.memref_slice %arg8[%while3A_13, %dma_wait3A] : memref<94x128xi32, #tpu.memory_space<vmem>> -> memref<1x128xi32, #tpu.memory_space<vmem>>
        %dma_wait3A_20 = tpu.memref_squeeze %dma_wait3A_19 : memref<1x128xi32, #tpu.memory_space<vmem>> -> memref<128xi32, #tpu.memory_space<vmem>>
        %dma_wait3A_21 = arith.constant 0 : i32
        %dma_wait3A_22 = arith.constant 0 : i32
        %dma_wait3A_23 = tpu.memref_slice %arg10[%dma_wait3A_21, %dma_wait3A_22] : memref<10240x128xf32, #tpu.memory_space<vmem_shared>> -> memref<10240x128xf32, #tpu.memory_space<vmem_shared>>
        tpu.wait_indirect_dma semaphore(%run_scoped3A : memref<!tpu.dma_semaphore, #tpu.memory_space<semaphore_mem>>) src(%arg9 : memref<128x128xf32, #tpu.memory_space<vmem>>) dst(%dma_wait3A_23 : memref<10240x128xf32, #tpu.memory_space<vmem_shared>>)
        tpu.yield
      }) : () -> ()
    }
    %while3A_11 = arith.constant 1 : i32
    scf.for %while3A_13 = %while3A_9 to %while3A_5 step %while3A_11  : i32 {
      "tpu.region"() ({
        %run_scoped3A = tpu.sem_alloc : memref<!tpu.dma_semaphore, #tpu.memory_space<semaphore_mem>>
        %dma_start3A = arith.constant 0 : i32
        %dma_start3A_14 = tpu.memref_slice %arg7[%while3A_13, %dma_start3A] : memref<94x128xi32, #tpu.memory_space<vmem>> -> memref<1x128xi32, #tpu.memory_space<vmem>>
        %dma_start3A_15 = tpu.memref_squeeze %dma_start3A_14 : memref<1x128xi32, #tpu.memory_space<vmem>> -> memref<128xi32, #tpu.memory_space<vmem>>
        %dma_start3A_16 = arith.constant 0 : i32
        %dma_start3A_17 = arith.constant 0 : i32
        %dma_start3A_18 = tpu.memref_slice %arg2[%dma_start3A_16, %dma_start3A_17] : memref<10000x128xf32, #tpu.memory_space<hbm>> -> memref<10000x128xf32, #tpu.memory_space<hbm>>
        tpu.enqueue_indirect_dma source(%dma_start3A_18 : memref<10000x128xf32, #tpu.memory_space<hbm>>) target(%arg9 : memref<128x128xf32, #tpu.memory_space<vmem>>) offsets(%dma_start3A_15 : memref<128xi32, #tpu.memory_space<vmem>>) semaphore(%run_scoped3A : memref<!tpu.dma_semaphore, #tpu.memory_space<semaphore_mem>>)
        %dma_wait3A = arith.constant 0 : i32
        %dma_wait3A_19 = tpu.memref_slice %arg7[%while3A_13, %dma_wait3A] : memref<94x128xi32, #tpu.memory_space<vmem>> -> memref<1x128xi32, #tpu.memory_space<vmem>>
        %dma_wait3A_20 = tpu.memref_squeeze %dma_wait3A_19 : memref<1x128xi32, #tpu.memory_space<vmem>> -> memref<128xi32, #tpu.memory_space<vmem>>
        %dma_wait3A_21 = arith.constant 0 : i32
        %dma_wait3A_22 = arith.constant 0 : i32
        %dma_wait3A_23 = tpu.memref_slice %arg2[%dma_wait3A_21, %dma_wait3A_22] : memref<10000x128xf32, #tpu.memory_space<hbm>> -> memref<10000x128xf32, #tpu.memory_space<hbm>>
        tpu.wait_indirect_dma semaphore(%run_scoped3A : memref<!tpu.dma_semaphore, #tpu.memory_space<semaphore_mem>>) src(%dma_wait3A_23 : memref<10000x128xf32, #tpu.memory_space<hbm>>) dst(%arg9 : memref<128x128xf32, #tpu.memory_space<vmem>>)
        tpu.yield
      }) : () -> ()
      "tpu.region"() ({
        %run_scoped3A = tpu.sem_alloc : memref<!tpu.dma_semaphore, #tpu.memory_space<semaphore_mem>>
        %dma_start3A = arith.constant 0 : i32
        %dma_start3A_14 = tpu.memref_slice %arg8[%while3A_13, %dma_start3A] : memref<94x128xi32, #tpu.memory_space<vmem>> -> memref<1x128xi32, #tpu.memory_space<vmem>>
        %dma_start3A_15 = tpu.memref_squeeze %dma_start3A_14 : memref<1x128xi32, #tpu.memory_space<vmem>> -> memref<128xi32, #tpu.memory_space<vmem>>
        %dma_start3A_16 = arith.constant 0 : i32
        %dma_start3A_17 = arith.constant 0 : i32
        %dma_start3A_18 = tpu.memref_slice %arg10[%dma_start3A_16, %dma_start3A_17] : memref<10240x128xf32, #tpu.memory_space<vmem_shared>> -> memref<10240x128xf32, #tpu.memory_space<vmem_shared>>
        tpu.enqueue_indirect_dma source(%arg9 : memref<128x128xf32, #tpu.memory_space<vmem>>) target(%dma_start3A_18 : memref<10240x128xf32, #tpu.memory_space<vmem_shared>>) offsets(%dma_start3A_15 : memref<128xi32, #tpu.memory_space<vmem>>) semaphore(%run_scoped3A : memref<!tpu.dma_semaphore, #tpu.memory_space<semaphore_mem>>) {add = true}
        %dma_wait3A = arith.constant 0 : i32
        %dma_wait3A_19 = tpu.memref_slice %arg8[%while3A_13, %dma_wait3A] : memref<94x128xi32, #tpu.memory_space<vmem>> -> memref<1x128xi32, #tpu.memory_space<vmem>>
        %dma_wait3A_20 = tpu.memref_squeeze %dma_wait3A_19 : memref<1x128xi32, #tpu.memory_space<vmem>> -> memref<128xi32, #tpu.memory_space<vmem>>
        %dma_wait3A_21 = arith.constant 0 : i32
        %dma_wait3A_22 = arith.constant 0 : i32
        %dma_wait3A_23 = tpu.memref_slice %arg10[%dma_wait3A_21, %dma_wait3A_22] : memref<10240x128xf32, #tpu.memory_space<vmem_shared>> -> memref<10240x128xf32, #tpu.memory_space<vmem_shared>>
        tpu.wait_indirect_dma semaphore(%run_scoped3A : memref<!tpu.dma_semaphore, #tpu.memory_space<semaphore_mem>>) src(%arg9 : memref<128x128xf32, #tpu.memory_space<vmem>>) dst(%dma_wait3A_23 : memref<10240x128xf32, #tpu.memory_space<vmem_shared>>)
        tpu.yield
      }) : () -> ()
    }
    %barrier3A_12 = arith.constant 0 : index
    tpu.barrier barrier_id(%barrier3A_12)
    "tpu.region"() ({
      %run_scoped3A = tpu.sem_alloc : memref<!tpu.dma_semaphore, #tpu.memory_space<semaphore_mem>>
      %dma_start3A = arith.constant 0 : i32
      %dma_start3A_13 = tpu.memref_slice %arg6[%arg0, %mul3A_2, %dma_start3A] : memref<2x10240x128xf32, #tpu.memory_space<hbm>> -> memref<1x640x128xf32, #tpu.memory_space<hbm>>
      %dma_start3A_14 = tpu.memref_squeeze %dma_start3A_13 : memref<1x640x128xf32, #tpu.memory_space<hbm>> -> memref<640x128xf32, #tpu.memory_space<hbm>>
      %dma_start3A_15 = arith.constant 0 : i32
      %dma_start3A_16 = tpu.memref_slice %arg10[%mul3A_2, %dma_start3A_15] : memref<10240x128xf32, #tpu.memory_space<vmem_shared>> -> memref<640x128xf32, #tpu.memory_space<vmem_shared>>
      tpu.enqueue_dma source(%dma_start3A_16 : memref<640x128xf32, #tpu.memory_space<vmem_shared>>) target(%dma_start3A_14 : memref<640x128xf32, #tpu.memory_space<hbm>>) target_semaphore(%run_scoped3A : memref<!tpu.dma_semaphore, #tpu.memory_space<semaphore_mem>>)
      %dma_wait3A = arith.constant 0 : i32
      %dma_wait3A_17 = tpu.memref_slice %arg6[%arg0, %mul3A_2, %dma_wait3A] : memref<2x10240x128xf32, #tpu.memory_space<hbm>> -> memref<1x640x128xf32, #tpu.memory_space<hbm>>
      %dma_wait3A_18 = tpu.memref_squeeze %dma_wait3A_17 : memref<1x640x128xf32, #tpu.memory_space<hbm>> -> memref<640x128xf32, #tpu.memory_space<hbm>>
      %dma_wait3A_19 = arith.constant 0 : i32
      %dma_wait3A_20 = tpu.memref_slice %arg10[%mul3A_2, %dma_wait3A_19] : memref<10240x128xf32, #tpu.memory_space<vmem_shared>> -> memref<640x128xf32, #tpu.memory_space<vmem_shared>>
      tpu.wait_dma2 semaphore(%run_scoped3A : memref<!tpu.dma_semaphore, #tpu.memory_space<semaphore_mem>>) src(%dma_wait3A_20 : memref<640x128xf32, #tpu.memory_space<vmem_shared>>) dst(%dma_wait3A_18 : memref<640x128xf32, #tpu.memory_space<hbm>>)
      tpu.yield
    }) : () -> ()
    return
  }
}

#map = affine_map<(d0, d1) -> (0, 0)>
#map1 = affine_map<(d0, d1) -> (0, 0, 0, 0)>
#map2 = affine_map<(d0, d1) -> (0, 0, 0)>
module attributes {stable_mosaic.version = 14 : i64} {
  func.func @agg_kernel(%arg0: i32, %arg1: i32, %arg2: memref<10000x128xf32, #tpu.memory_space<hbm>>, %arg3: memref<2x16x94x128xi32, #tpu.memory_space<hbm>>, %arg4: memref<2x16x94x128xi32, #tpu.memory_space<hbm>>, %arg5: memref<640x128xf32, #tpu.memory_space<hbm>>, %arg6: memref<2x10240x128xf32, #tpu.memory_space<hbm>>, %arg7: memref<94x128xi32, #tpu.memory_space<vmem>>, %arg8: memref<94x128xi32, #tpu.memory_space<vmem>>, %arg9: memref<128x128xf32, #tpu.memory_space<vmem>>, %arg10: memref<10240x128xf32, #tpu.memory_space<vmem_shared>>) attributes {dimension_semantics = [#tpu.dimension_semantics<core_parallel>, #tpu.dimension_semantics<subcore_parallel>], iteration_bounds = array<i64: 2, 16>, scalar_prefetch = 0 : i64, scratch_operands = 4 : i64, tpu.core_type = #tpu.core_type<sc_vector_subcore>, window_params = [{transform_indices = #map}, {transform_indices = #map1}, {transform_indices = #map1}, {transform_indices = #map}, {transform_indices = #map2}]} {
    %eq3A = arith.constant 0 : i32
    %eq3A_0 = arith.cmpi eq, %arg0, %eq3A : i32
    %jit3A = arith.constant 63 : i32
    %jit3A_1 = arith.constant 94 : i32
    %select_n3A = arith.select %eq3A_0, %jit3A, %jit3A_1 : i32
    %mul3A = arith.constant 640 : i32
    %mul3A_2 = arith.muli %arg1, %mul3A : i32
    "tpu.region"() ({
      %run_scoped3A = tpu.sem_alloc : memref<!tpu.dma_semaphore, #tpu.memory_space<semaphore_mem>>
      %dma_start3A = arith.constant 0 : i32
      %dma_start3A_13 = tpu.memref_slice %arg10[%mul3A_2, %dma_start3A] : memref<10240x128xf32, #tpu.memory_space<vmem_shared>> -> memref<640x128xf32, #tpu.memory_space<vmem_shared>>
      tpu.enqueue_dma source(%arg5 : memref<640x128xf32, #tpu.memory_space<hbm>>) target(%dma_start3A_13 : memref<640x128xf32, #tpu.memory_space<vmem_shared>>) target_semaphore(%run_scoped3A : memref<!tpu.dma_semaphore, #tpu.memory_space<semaphore_mem>>)
      %dma_wait3A = arith.constant 0 : i32
      %dma_wait3A_14 = tpu.memref_slice %arg10[%mul3A_2, %dma_wait3A] : memref<10240x128xf32, #tpu.memory_space<vmem_shared>> -> memref<640x128xf32, #tpu.memory_space<vmem_shared>>
      tpu.wait_dma2 semaphore(%run_scoped3A : memref<!tpu.dma_semaphore, #tpu.memory_space<semaphore_mem>>) src(%arg5 : memref<640x128xf32, #tpu.memory_space<hbm>>) dst(%dma_wait3A_14 : memref<640x128xf32, #tpu.memory_space<vmem_shared>>)
      tpu.yield
    }) : () -> ()
    "tpu.region"() ({
      %run_scoped3A = tpu.sem_alloc : memref<!tpu.dma_semaphore, #tpu.memory_space<semaphore_mem>>
      %dma_start3A = arith.constant 0 : i32
      %dma_start3A_13 = arith.constant 0 : i32
      %dma_start3A_14 = tpu.memref_slice %arg3[%arg0, %arg1, %dma_start3A, %dma_start3A_13] : memref<2x16x94x128xi32, #tpu.memory_space<hbm>> -> memref<1x1x94x128xi32, #tpu.memory_space<hbm>>
      %dma_start3A_15 = tpu.memref_squeeze %dma_start3A_14 : memref<1x1x94x128xi32, #tpu.memory_space<hbm>> -> memref<94x128xi32, #tpu.memory_space<hbm>>
      %dma_start3A_16 = arith.constant 0 : i32
      %dma_start3A_17 = arith.constant 0 : i32
      %dma_start3A_18 = tpu.memref_slice %arg3[%arg0, %arg1, %dma_start3A_16, %dma_start3A_17] : memref<2x16x94x128xi32, #tpu.memory_space<hbm>> -> memref<1x1x94x128xi32, #tpu.memory_space<hbm>>
      %dma_start3A_19 = tpu.memref_squeeze %dma_start3A_18 : memref<1x1x94x128xi32, #tpu.memory_space<hbm>> -> memref<94x128xi32, #tpu.memory_space<hbm>>
      tpu.enqueue_dma source(%dma_start3A_19 : memref<94x128xi32, #tpu.memory_space<hbm>>) target(%arg7 : memref<94x128xi32, #tpu.memory_space<vmem>>) target_semaphore(%run_scoped3A : memref<!tpu.dma_semaphore, #tpu.memory_space<semaphore_mem>>)
      %dma_wait3A = arith.constant 0 : i32
      %dma_wait3A_20 = arith.constant 0 : i32
      %dma_wait3A_21 = tpu.memref_slice %arg3[%arg0, %arg1, %dma_wait3A, %dma_wait3A_20] : memref<2x16x94x128xi32, #tpu.memory_space<hbm>> -> memref<1x1x94x128xi32, #tpu.memory_space<hbm>>
      %dma_wait3A_22 = tpu.memref_squeeze %dma_wait3A_21 : memref<1x1x94x128xi32, #tpu.memory_space<hbm>> -> memref<94x128xi32, #tpu.memory_space<hbm>>
      %dma_wait3A_23 = arith.constant 0 : i32
      %dma_wait3A_24 = arith.constant 0 : i32
      %dma_wait3A_25 = tpu.memref_slice %arg3[%arg0, %arg1, %dma_wait3A_23, %dma_wait3A_24] : memref<2x16x94x128xi32, #tpu.memory_space<hbm>> -> memref<1x1x94x128xi32, #tpu.memory_space<hbm>>
      %dma_wait3A_26 = tpu.memref_squeeze %dma_wait3A_25 : memref<1x1x94x128xi32, #tpu.memory_space<hbm>> -> memref<94x128xi32, #tpu.memory_space<hbm>>
      tpu.wait_dma2 semaphore(%run_scoped3A : memref<!tpu.dma_semaphore, #tpu.memory_space<semaphore_mem>>) src(%dma_wait3A_26 : memref<94x128xi32, #tpu.memory_space<hbm>>) dst(%arg7 : memref<94x128xi32, #tpu.memory_space<vmem>>)
      tpu.yield
    }) : () -> ()
    "tpu.region"() ({
      %run_scoped3A = tpu.sem_alloc : memref<!tpu.dma_semaphore, #tpu.memory_space<semaphore_mem>>
      %dma_start3A = arith.constant 0 : i32
      %dma_start3A_13 = arith.constant 0 : i32
      %dma_start3A_14 = tpu.memref_slice %arg4[%arg0, %arg1, %dma_start3A, %dma_start3A_13] : memref<2x16x94x128xi32, #tpu.memory_space<hbm>> -> memref<1x1x94x128xi32, #tpu.memory_space<hbm>>
      %dma_start3A_15 = tpu.memref_squeeze %dma_start3A_14 : memref<1x1x94x128xi32, #tpu.memory_space<hbm>> -> memref<94x128xi32, #tpu.memory_space<hbm>>
      %dma_start3A_16 = arith.constant 0 : i32
      %dma_start3A_17 = arith.constant 0 : i32
      %dma_start3A_18 = tpu.memref_slice %arg4[%arg0, %arg1, %dma_start3A_16, %dma_start3A_17] : memref<2x16x94x128xi32, #tpu.memory_space<hbm>> -> memref<1x1x94x128xi32, #tpu.memory_space<hbm>>
      %dma_start3A_19 = tpu.memref_squeeze %dma_start3A_18 : memref<1x1x94x128xi32, #tpu.memory_space<hbm>> -> memref<94x128xi32, #tpu.memory_space<hbm>>
      tpu.enqueue_dma source(%dma_start3A_19 : memref<94x128xi32, #tpu.memory_space<hbm>>) target(%arg8 : memref<94x128xi32, #tpu.memory_space<vmem>>) target_semaphore(%run_scoped3A : memref<!tpu.dma_semaphore, #tpu.memory_space<semaphore_mem>>)
      %dma_wait3A = arith.constant 0 : i32
      %dma_wait3A_20 = arith.constant 0 : i32
      %dma_wait3A_21 = tpu.memref_slice %arg4[%arg0, %arg1, %dma_wait3A, %dma_wait3A_20] : memref<2x16x94x128xi32, #tpu.memory_space<hbm>> -> memref<1x1x94x128xi32, #tpu.memory_space<hbm>>
      %dma_wait3A_22 = tpu.memref_squeeze %dma_wait3A_21 : memref<1x1x94x128xi32, #tpu.memory_space<hbm>> -> memref<94x128xi32, #tpu.memory_space<hbm>>
      %dma_wait3A_23 = arith.constant 0 : i32
      %dma_wait3A_24 = arith.constant 0 : i32
      %dma_wait3A_25 = tpu.memref_slice %arg4[%arg0, %arg1, %dma_wait3A_23, %dma_wait3A_24] : memref<2x16x94x128xi32, #tpu.memory_space<hbm>> -> memref<1x1x94x128xi32, #tpu.memory_space<hbm>>
      %dma_wait3A_26 = tpu.memref_squeeze %dma_wait3A_25 : memref<1x1x94x128xi32, #tpu.memory_space<hbm>> -> memref<94x128xi32, #tpu.memory_space<hbm>>
      tpu.wait_dma2 semaphore(%run_scoped3A : memref<!tpu.dma_semaphore, #tpu.memory_space<semaphore_mem>>) src(%dma_wait3A_26 : memref<94x128xi32, #tpu.memory_space<hbm>>) dst(%arg8 : memref<94x128xi32, #tpu.memory_space<vmem>>)
      tpu.yield
    }) : () -> ()
    %barrier3A = arith.constant 0 : index
    tpu.barrier barrier_id(%barrier3A)
    %while3A = arith.constant 0 : i32
    %while3A_3 = arith.constant 0 : i32
    %while3A_4 = arith.subi %select_n3A, %while3A_3 : i32
    %while3A_5 = arith.addi %while3A_3, %while3A_4 : i32
    %while3A_6 = arith.constant 1 : i32
    %while3A_7 = arith.divsi %while3A_4, %while3A_6 : i32
    %while3A_8 = arith.muli %while3A_7, %while3A_6 : i32
    %while3A_9 = arith.addi %while3A_3, %while3A_8 : i32
    %while3A_10 = arith.constant 1 : i32
    scf.for %while3A_13 = %while3A_3 to %while3A_9 step %while3A_10  : i32 {
      "tpu.region"() ({
        %run_scoped3A = tpu.sem_alloc : memref<!tpu.dma_semaphore, #tpu.memory_space<semaphore_mem>>
        %dma_start3A = arith.constant 0 : i32
        %dma_start3A_14 = tpu.memref_slice %arg7[%while3A_13, %dma_start3A] : memref<94x128xi32, #tpu.memory_space<vmem>> -> memref<1x128xi32, #tpu.memory_space<vmem>>
        %dma_start3A_15 = tpu.memref_squeeze %dma_start3A_14 : memref<1x128xi32, #tpu.memory_space<vmem>> -> memref<128xi32, #tpu.memory_space<vmem>>
        %dma_start3A_16 = arith.constant 0 : i32
        %dma_start3A_17 = arith.constant 0 : i32
        %dma_start3A_18 = tpu.memref_slice %arg2[%dma_start3A_16, %dma_start3A_17] : memref<10000x128xf32, #tpu.memory_space<hbm>> -> memref<10000x128xf32, #tpu.memory_space<hbm>>
        tpu.enqueue_indirect_dma source(%dma_start3A_18 : memref<10000x128xf32, #tpu.memory_space<hbm>>) target(%arg9 : memref<128x128xf32, #tpu.memory_space<vmem>>) offsets(%dma_start3A_15 : memref<128xi32, #tpu.memory_space<vmem>>) semaphore(%run_scoped3A : memref<!tpu.dma_semaphore, #tpu.memory_space<semaphore_mem>>)
        %dma_wait3A = arith.constant 0 : i32
        %dma_wait3A_19 = tpu.memref_slice %arg7[%while3A_13, %dma_wait3A] : memref<94x128xi32, #tpu.memory_space<vmem>> -> memref<1x128xi32, #tpu.memory_space<vmem>>
        %dma_wait3A_20 = tpu.memref_squeeze %dma_wait3A_19 : memref<1x128xi32, #tpu.memory_space<vmem>> -> memref<128xi32, #tpu.memory_space<vmem>>
        %dma_wait3A_21 = arith.constant 0 : i32
        %dma_wait3A_22 = arith.constant 0 : i32
        %dma_wait3A_23 = tpu.memref_slice %arg2[%dma_wait3A_21, %dma_wait3A_22] : memref<10000x128xf32, #tpu.memory_space<hbm>> -> memref<10000x128xf32, #tpu.memory_space<hbm>>
        tpu.wait_indirect_dma semaphore(%run_scoped3A : memref<!tpu.dma_semaphore, #tpu.memory_space<semaphore_mem>>) src(%dma_wait3A_23 : memref<10000x128xf32, #tpu.memory_space<hbm>>) dst(%arg9 : memref<128x128xf32, #tpu.memory_space<vmem>>)
        tpu.yield
      }) : () -> ()
      "tpu.region"() ({
        %run_scoped3A = tpu.sem_alloc : memref<!tpu.dma_semaphore, #tpu.memory_space<semaphore_mem>>
        %dma_start3A = arith.constant 0 : i32
        %dma_start3A_14 = tpu.memref_slice %arg8[%while3A_13, %dma_start3A] : memref<94x128xi32, #tpu.memory_space<vmem>> -> memref<1x128xi32, #tpu.memory_space<vmem>>
        %dma_start3A_15 = tpu.memref_squeeze %dma_start3A_14 : memref<1x128xi32, #tpu.memory_space<vmem>> -> memref<128xi32, #tpu.memory_space<vmem>>
        %dma_start3A_16 = arith.constant 0 : i32
        %dma_start3A_17 = arith.constant 0 : i32
        %dma_start3A_18 = tpu.memref_slice %arg10[%dma_start3A_16, %dma_start3A_17] : memref<10240x128xf32, #tpu.memory_space<vmem_shared>> -> memref<10240x128xf32, #tpu.memory_space<vmem_shared>>
        tpu.enqueue_indirect_dma source(%arg9 : memref<128x128xf32, #tpu.memory_space<vmem>>) target(%dma_start3A_18 : memref<10240x128xf32, #tpu.memory_space<vmem_shared>>) offsets(%dma_start3A_15 : memref<128xi32, #tpu.memory_space<vmem>>) semaphore(%run_scoped3A : memref<!tpu.dma_semaphore, #tpu.memory_space<semaphore_mem>>) {add = true}
        %dma_wait3A = arith.constant 0 : i32
        %dma_wait3A_19 = tpu.memref_slice %arg8[%while3A_13, %dma_wait3A] : memref<94x128xi32, #tpu.memory_space<vmem>> -> memref<1x128xi32, #tpu.memory_space<vmem>>
        %dma_wait3A_20 = tpu.memref_squeeze %dma_wait3A_19 : memref<1x128xi32, #tpu.memory_space<vmem>> -> memref<128xi32, #tpu.memory_space<vmem>>
        %dma_wait3A_21 = arith.constant 0 : i32
        %dma_wait3A_22 = arith.constant 0 : i32
        %dma_wait3A_23 = tpu.memref_slice %arg10[%dma_wait3A_21, %dma_wait3A_22] : memref<10240x128xf32, #tpu.memory_space<vmem_shared>> -> memref<10240x128xf32, #tpu.memory_space<vmem_shared>>
        tpu.wait_indirect_dma semaphore(%run_scoped3A : memref<!tpu.dma_semaphore, #tpu.memory_space<semaphore_mem>>) src(%arg9 : memref<128x128xf32, #tpu.memory_space<vmem>>) dst(%dma_wait3A_23 : memref<10240x128xf32, #tpu.memory_space<vmem_shared>>)
        tpu.yield
      }) : () -> ()
    }
    %while3A_11 = arith.constant 1 : i32
    scf.for %while3A_13 = %while3A_9 to %while3A_5 step %while3A_11  : i32 {
      "tpu.region"() ({
        %run_scoped3A = tpu.sem_alloc : memref<!tpu.dma_semaphore, #tpu.memory_space<semaphore_mem>>
        %dma_start3A = arith.constant 0 : i32
        %dma_start3A_14 = tpu.memref_slice %arg7[%while3A_13, %dma_start3A] : memref<94x128xi32, #tpu.memory_space<vmem>> -> memref<1x128xi32, #tpu.memory_space<vmem>>
        %dma_start3A_15 = tpu.memref_squeeze %dma_start3A_14 : memref<1x128xi32, #tpu.memory_space<vmem>> -> memref<128xi32, #tpu.memory_space<vmem>>
        %dma_start3A_16 = arith.constant 0 : i32
        %dma_start3A_17 = arith.constant 0 : i32
        %dma_start3A_18 = tpu.memref_slice %arg2[%dma_start3A_16, %dma_start3A_17] : memref<10000x128xf32, #tpu.memory_space<hbm>> -> memref<10000x128xf32, #tpu.memory_space<hbm>>
        tpu.enqueue_indirect_dma source(%dma_start3A_18 : memref<10000x128xf32, #tpu.memory_space<hbm>>) target(%arg9 : memref<128x128xf32, #tpu.memory_space<vmem>>) offsets(%dma_start3A_15 : memref<128xi32, #tpu.memory_space<vmem>>) semaphore(%run_scoped3A : memref<!tpu.dma_semaphore, #tpu.memory_space<semaphore_mem>>)
        %dma_wait3A = arith.constant 0 : i32
        %dma_wait3A_19 = tpu.memref_slice %arg7[%while3A_13, %dma_wait3A] : memref<94x128xi32, #tpu.memory_space<vmem>> -> memref<1x128xi32, #tpu.memory_space<vmem>>
        %dma_wait3A_20 = tpu.memref_squeeze %dma_wait3A_19 : memref<1x128xi32, #tpu.memory_space<vmem>> -> memref<128xi32, #tpu.memory_space<vmem>>
        %dma_wait3A_21 = arith.constant 0 : i32
        %dma_wait3A_22 = arith.constant 0 : i32
        %dma_wait3A_23 = tpu.memref_slice %arg2[%dma_wait3A_21, %dma_wait3A_22] : memref<10000x128xf32, #tpu.memory_space<hbm>> -> memref<10000x128xf32, #tpu.memory_space<hbm>>
        tpu.wait_indirect_dma semaphore(%run_scoped3A : memref<!tpu.dma_semaphore, #tpu.memory_space<semaphore_mem>>) src(%dma_wait3A_23 : memref<10000x128xf32, #tpu.memory_space<hbm>>) dst(%arg9 : memref<128x128xf32, #tpu.memory_space<vmem>>)
        tpu.yield
      }) : () -> ()
      "tpu.region"() ({
        %run_scoped3A = tpu.sem_alloc : memref<!tpu.dma_semaphore, #tpu.memory_space<semaphore_mem>>
        %dma_start3A = arith.constant 0 : i32
        %dma_start3A_14 = tpu.memref_slice %arg8[%while3A_13, %dma_start3A] : memref<94x128xi32, #tpu.memory_space<vmem>> -> memref<1x128xi32, #tpu.memory_space<vmem>>
        %dma_start3A_15 = tpu.memref_squeeze %dma_start3A_14 : memref<1x128xi32, #tpu.memory_space<vmem>> -> memref<128xi32, #tpu.memory_space<vmem>>
        %dma_start3A_16 = arith.constant 0 : i32
        %dma_start3A_17 = arith.constant 0 : i32
        %dma_start3A_18 = tpu.memref_slice %arg10[%dma_start3A_16, %dma_start3A_17] : memref<10240x128xf32, #tpu.memory_space<vmem_shared>> -> memref<10240x128xf32, #tpu.memory_space<vmem_shared>>
        tpu.enqueue_indirect_dma source(%arg9 : memref<128x128xf32, #tpu.memory_space<vmem>>) target(%dma_start3A_18 : memref<10240x128xf32, #tpu.memory_space<vmem_shared>>) offsets(%dma_start3A_15 : memref<128xi32, #tpu.memory_space<vmem>>) semaphore(%run_scoped3A : memref<!tpu.dma_semaphore, #tpu.memory_space<semaphore_mem>>) {add = true}
        %dma_wait3A = arith.constant 0 : i32
        %dma_wait3A_19 = tpu.memref_slice %arg8[%while3A_13, %dma_wait3A] : memref<94x128xi32, #tpu.memory_space<vmem>> -> memref<1x128xi32, #tpu.memory_space<vmem>>
        %dma_wait3A_20 = tpu.memref_squeeze %dma_wait3A_19 : memref<1x128xi32, #tpu.memory_space<vmem>> -> memref<128xi32, #tpu.memory_space<vmem>>
        %dma_wait3A_21 = arith.constant 0 : i32
        %dma_wait3A_22 = arith.constant 0 : i32
        %dma_wait3A_23 = tpu.memref_slice %arg10[%dma_wait3A_21, %dma_wait3A_22] : memref<10240x128xf32, #tpu.memory_space<vmem_shared>> -> memref<10240x128xf32, #tpu.memory_space<vmem_shared>>
        tpu.wait_indirect_dma semaphore(%run_scoped3A : memref<!tpu.dma_semaphore, #tpu.memory_space<semaphore_mem>>) src(%arg9 : memref<128x128xf32, #tpu.memory_space<vmem>>) dst(%dma_wait3A_23 : memref<10240x128xf32, #tpu.memory_space<vmem_shared>>)
        tpu.yield
      }) : () -> ()
    }
    %barrier3A_12 = arith.constant 0 : index
    tpu.barrier barrier_id(%barrier3A_12)
    "tpu.region"() ({
      %run_scoped3A = tpu.sem_alloc : memref<!tpu.dma_semaphore, #tpu.memory_space<semaphore_mem>>
      %dma_start3A = arith.constant 0 : i32
      %dma_start3A_13 = tpu.memref_slice %arg6[%arg0, %mul3A_2, %dma_start3A] : memref<2x10240x128xf32, #tpu.memory_space<hbm>> -> memref<1x640x128xf32, #tpu.memory_space<hbm>>
      %dma_start3A_14 = tpu.memref_squeeze %dma_start3A_13 : memref<1x640x128xf32, #tpu.memory_space<hbm>> -> memref<640x128xf32, #tpu.memory_space<hbm>>
      %dma_start3A_15 = arith.constant 0 : i32
      %dma_start3A_16 = tpu.memref_slice %arg10[%mul3A_2, %dma_start3A_15] : memref<10240x128xf32, #tpu.memory_space<vmem_shared>> -> memref<640x128xf32, #tpu.memory_space<vmem_shared>>
      tpu.enqueue_dma source(%dma_start3A_16 : memref<640x128xf32, #tpu.memory_space<vmem_shared>>) target(%dma_start3A_14 : memref<640x128xf32, #tpu.memory_space<hbm>>) target_semaphore(%run_scoped3A : memref<!tpu.dma_semaphore, #tpu.memory_space<semaphore_mem>>)
      %dma_wait3A = arith.constant 0 : i32
      %dma_wait3A_17 = tpu.memref_slice %arg6[%arg0, %mul3A_2, %dma_wait3A] : memref<2x10240x128xf32, #tpu.memory_space<hbm>> -> memref<1x640x128xf32, #tpu.memory_space<hbm>>
      %dma_wait3A_18 = tpu.memref_squeeze %dma_wait3A_17 : memref<1x640x128xf32, #tpu.memory_space<hbm>> -> memref<640x128xf32, #tpu.memory_space<hbm>>
      %dma_wait3A_19 = arith.constant 0 : i32
      %dma_wait3A_20 = tpu.memref_slice %arg10[%mul3A_2, %dma_wait3A_19] : memref<10240x128xf32, #tpu.memory_space<vmem_shared>> -> memref<640x128xf32, #tpu.memory_space<vmem_shared>>
      tpu.wait_dma2 semaphore(%run_scoped3A : memref<!tpu.dma_semaphore, #tpu.memory_space<semaphore_mem>>) src(%dma_wait3A_20 : memref<640x128xf32, #tpu.memory_space<vmem_shared>>) dst(%dma_wait3A_18 : memref<640x128xf32, #tpu.memory_space<hbm>>)
      tpu.yield
    }) : () -> ()
    return
  }
}

module attributes {stable_mosaic.version = 14 : i64} {
  func.func @body(%arg0: i32, %arg1: memref<2000x128xf32, #tpu.memory_space<vmem>>, %arg2: memref<128x128xf32, #tpu.memory_space<vmem>>, %arg3: memref<2000x32xf32, #tpu.memory_space<vmem>>, %arg4: memref<2000x128xf32, #tpu.memory_space<vmem>>) attributes {dimension_semantics = [#tpu.dimension_semantics<arbitrary>], iteration_bounds = array<i64: 5>, scalar_prefetch = 0 : i64, scratch_operands = 0 : i64, tpu.core_type = #tpu.core_type<tc>, window_params = [{transform_indices = @transform_0, window_bounds = array<i64: 2000, 128>}, {pipeline_mode = #tpu.pipeline_mode<synchronous>, transform_indices = @transform_1, window_bounds = array<i64: 128, 128>}, {transform_indices = @transform_2, window_bounds = array<i64: 2000, 32>}, {transform_indices = @transform_3, window_bounds = array<i64: 2000, 128>}]} {
    %get3A = arith.constant 0 : index
    %get3A_0 = arith.constant 0 : index
    %get3A_1 = vector.load %arg3[%get3A, %get3A_0] : memref<2000x32xf32, #tpu.memory_space<vmem>>, vector<2000x32xf32>
    %reduce_sum3A = arith.constant dense<0.000000e+00> : vector<2000xf32>
    %reduce_sum3A_2 = vector.multi_reduction <add>, %get3A_1, %reduce_sum3A [1] : vector<2000x32xf32> to vector<2000xf32>
    %add3A = arith.constant 1.000000e+00 : f32
    %add3A_3 = vector.broadcast %add3A : f32 to vector<2000xf32>
    %add3A_4 = arith.addf %reduce_sum3A_2, %add3A_3 : vector<2000xf32>
    %rsqrt3A = math.rsqrt %add3A_4 : vector<2000xf32>
    %get3A_5 = arith.constant 0 : index
    %get3A_6 = arith.constant 0 : index
    %get3A_7 = vector.load %arg1[%get3A_5, %get3A_6] : memref<2000x128xf32, #tpu.memory_space<vmem>>, vector<2000x128xf32>
    %get3A_8 = arith.constant 0 : index
    %get3A_9 = arith.constant 0 : index
    %get3A_10 = vector.load %arg2[%get3A_8, %get3A_9] : memref<128x128xf32, #tpu.memory_space<vmem>>, vector<128x128xf32>
    %dot_general3A = arith.constant dense<0.000000e+00> : vector<2000x128xf32>
    %dot_general3A_11 = tpu.matmul %get3A_7, %get3A_10, %dot_general3A {dimension_numbers = #tpu.dot_dimension_numbers<[1], [0], [0], [1], [0, 0, 1, 1], [], []>, precision = #tpu.contract_precision<fp32>, transpose_lhs_hint = false} : vector<2000x128xf32>, vector<128x128xf32>, vector<2000x128xf32> -> vector<2000x128xf32>
    %broadcast_in_dim3A = vector.shape_cast %rsqrt3A : vector<2000xf32> to vector<2000x1xf32>
    %mul3A = vector.broadcast %broadcast_in_dim3A : vector<2000x1xf32> to vector<2000x128xf32>
    %mul3A_12 = arith.mulf %dot_general3A_11, %mul3A : vector<2000x128xf32>
    %swap3A = arith.constant 0 : index
    %swap3A_13 = arith.constant 0 : index
    %swap3A_14 = vector.load %arg4[%swap3A, %swap3A_13] : memref<2000x128xf32, #tpu.memory_space<vmem>>, vector<2000x128xf32>
    tpu.vector_store %arg4[%swap3A, %swap3A_13], %mul3A_12 {strides = array<i32>} : memref<2000x128xf32, #tpu.memory_space<vmem>>, vector<2000x128xf32>,
    return
  }
  func.func @transform_0(%arg0: i32) -> (i32, i32) {
    %c0_i32 = arith.constant 0 : i32
    %c0_i32_0 = arith.constant 0 : i32
    return %arg0, %c0_i32 : i32, i32
  }
  func.func @transform_1(%arg0: i32) -> (i32, i32) {
    %c0_i32 = arith.constant 0 : i32
    %c0_i32_0 = arith.constant 0 : i32
    %c0_i32_1 = arith.constant 0 : i32
    return %c0_i32, %c0_i32_0 : i32, i32
  }
  func.func @transform_2(%arg0: i32) -> (i32, i32) {
    %c0_i32 = arith.constant 0 : i32
    %c0_i32_0 = arith.constant 0 : i32
    return %arg0, %c0_i32 : i32, i32
  }
  func.func @transform_3(%arg0: i32) -> (i32, i32) {
    %c0_i32 = arith.constant 0 : i32
    %c0_i32_0 = arith.constant 0 : i32
    return %arg0, %c0_i32 : i32, i32
  }
}

module attributes {stable_mosaic.version = 14 : i64} {
  func.func @body(%arg0: i32, %arg1: memref<1x2000x128xf32, #tpu.memory_space<vmem>>, %arg2: memref<1x2000x128xf32, #tpu.memory_space<vmem>>, %arg3: memref<2000x128xf32, #tpu.memory_space<vmem>>, %arg4: memref<2000x32xf32, #tpu.memory_space<vmem>>, %arg5: memref<1x128xf32, #tpu.memory_space<vmem>>, %arg6: memref<128x128xf32, #tpu.memory_space<vmem>>, %arg7: memref<2000x128xf32, #tpu.memory_space<vmem>>) attributes {dimension_semantics = [#tpu.dimension_semantics<arbitrary>], iteration_bounds = array<i64: 5>, scalar_prefetch = 0 : i64, scratch_operands = 0 : i64, tpu.core_type = #tpu.core_type<tc>, window_params = [{transform_indices = @transform_0, window_bounds = array<i64: 1, 2000, 128>}, {transform_indices = @transform_1, window_bounds = array<i64: 1, 2000, 128>}, {transform_indices = @transform_2, window_bounds = array<i64: 2000, 128>}, {transform_indices = @transform_3, window_bounds = array<i64: 2000, 32>}, {pipeline_mode = #tpu.pipeline_mode<synchronous>, transform_indices = @transform_4, window_bounds = array<i64: 1, 128>}, {pipeline_mode = #tpu.pipeline_mode<synchronous>, transform_indices = @transform_5, window_bounds = array<i64: 128, 128>}, {transform_indices = @transform_6, window_bounds = array<i64: 2000, 128>}]} {
    %get3A = arith.constant 0 : index
    %get3A_0 = arith.constant 0 : index
    %get3A_1 = vector.load %arg4[%get3A, %get3A_0] : memref<2000x32xf32, #tpu.memory_space<vmem>>, vector<2000x32xf32>
    %reduce_sum3A = arith.constant dense<0.000000e+00> : vector<2000xf32>
    %reduce_sum3A_2 = vector.multi_reduction <add>, %get3A_1, %reduce_sum3A [1] : vector<2000x32xf32> to vector<2000xf32>
    %add3A = arith.constant 1.000000e+00 : f32
    %add3A_3 = vector.broadcast %add3A : f32 to vector<2000xf32>
    %add3A_4 = arith.addf %reduce_sum3A_2, %add3A_3 : vector<2000xf32>
    %rsqrt3A = math.rsqrt %add3A_4 : vector<2000xf32>
    %get3A_5 = arith.constant 0 : index
    %get3A_6 = arith.constant 0 : index
    %get3A_7 = arith.constant 0 : index
    %get3A_8 = vector.load %arg1[%get3A_5, %get3A_6, %get3A_7] : memref<1x2000x128xf32, #tpu.memory_space<vmem>>, vector<1x2000x128xf32>
    %get3A_9 = vector.shape_cast %get3A_8 : vector<1x2000x128xf32> to vector<2000x128xf32>
    %get3A_10 = arith.constant 0 : index
    %get3A_11 = arith.constant 0 : index
    %get3A_12 = arith.constant 0 : index
    %get3A_13 = vector.load %arg2[%get3A_10, %get3A_11, %get3A_12] : memref<1x2000x128xf32, #tpu.memory_space<vmem>>, vector<1x2000x128xf32>
    %get3A_14 = vector.shape_cast %get3A_13 : vector<1x2000x128xf32> to vector<2000x128xf32>
    %add3A_15 = arith.addf %get3A_9, %get3A_14 : vector<2000x128xf32>
    %get3A_16 = arith.constant 0 : index
    %get3A_17 = arith.constant 0 : index
    %get3A_18 = vector.load %arg3[%get3A_16, %get3A_17] : memref<2000x128xf32, #tpu.memory_space<vmem>>, vector<2000x128xf32>
    %add3A_19 = arith.addf %add3A_15, %get3A_18 : vector<2000x128xf32>
    %broadcast_in_dim3A = vector.shape_cast %rsqrt3A : vector<2000xf32> to vector<2000x1xf32>
    %mul3A = vector.broadcast %broadcast_in_dim3A : vector<2000x1xf32> to vector<2000x128xf32>
    %mul3A_20 = arith.mulf %add3A_19, %mul3A : vector<2000x128xf32>
    %get3A_21 = arith.constant 0 : index
    %get3A_22 = arith.constant 0 : index
    %get3A_23 = vector.load %arg5[%get3A_21, %get3A_22] : memref<1x128xf32, #tpu.memory_space<vmem>>, vector<1x128xf32>
    %add3A_24 = vector.broadcast %get3A_23 : vector<1x128xf32> to vector<2000x128xf32>
    %add3A_25 = arith.addf %mul3A_20, %add3A_24 : vector<2000x128xf32>
    %max3A = arith.constant 0.000000e+00 : f32
    %max3A_26 = vector.broadcast %max3A : f32 to vector<2000x128xf32>
    %max3A_27 = arith.maximumf %add3A_25, %max3A_26 : vector<2000x128xf32>
    %get3A_28 = arith.constant 0 : index
    %get3A_29 = arith.constant 0 : index
    %get3A_30 = vector.load %arg6[%get3A_28, %get3A_29] : memref<128x128xf32, #tpu.memory_space<vmem>>, vector<128x128xf32>
    %dot_general3A = arith.constant dense<0.000000e+00> : vector<2000x128xf32>
    %dot_general3A_31 = tpu.matmul %max3A_27, %get3A_30, %dot_general3A {dimension_numbers = #tpu.dot_dimension_numbers<[1], [0], [0], [1], [0, 0, 1, 1], [], []>, precision = #tpu.contract_precision<fp32>, transpose_lhs_hint = false} : vector<2000x128xf32>, vector<128x128xf32>, vector<2000x128xf32> -> vector<2000x128xf32>
    %broadcast_in_dim3A_32 = vector.shape_cast %rsqrt3A : vector<2000xf32> to vector<2000x1xf32>
    %mul3A_33 = vector.broadcast %broadcast_in_dim3A_32 : vector<2000x1xf32> to vector<2000x128xf32>
    %mul3A_34 = arith.mulf %dot_general3A_31, %mul3A_33 : vector<2000x128xf32>
    %swap3A = arith.constant 0 : index
    %swap3A_35 = arith.constant 0 : index
    %swap3A_36 = vector.load %arg7[%swap3A, %swap3A_35] : memref<2000x128xf32, #tpu.memory_space<vmem>>, vector<2000x128xf32>
    tpu.vector_store %arg7[%swap3A, %swap3A_35], %mul3A_34 {strides = array<i32>} : memref<2000x128xf32, #tpu.memory_space<vmem>>, vector<2000x128xf32>,
    return
  }
  func.func @transform_0(%arg0: i32) -> (i32, i32, i32) {
    %c0_i32 = arith.constant 0 : i32
    %c0_i32_0 = arith.constant 0 : i32
    %c0_i32_1 = arith.constant 0 : i32
    return %c0_i32, %arg0, %c0_i32_0 : i32, i32, i32
  }
  func.func @transform_1(%arg0: i32) -> (i32, i32, i32) {
    %c1_i32 = arith.constant 1 : i32
    %c0_i32 = arith.constant 0 : i32
    %c0_i32_0 = arith.constant 0 : i32
    return %c1_i32, %arg0, %c0_i32 : i32, i32, i32
  }
  func.func @transform_2(%arg0: i32) -> (i32, i32) {
    %c0_i32 = arith.constant 0 : i32
    %c0_i32_0 = arith.constant 0 : i32
    return %arg0, %c0_i32 : i32, i32
  }
  func.func @transform_3(%arg0: i32) -> (i32, i32) {
    %c0_i32 = arith.constant 0 : i32
    %c0_i32_0 = arith.constant 0 : i32
    return %arg0, %c0_i32 : i32, i32
  }
  func.func @transform_4(%arg0: i32) -> (i32, i32) {
    %c0_i32 = arith.constant 0 : i32
    %c0_i32_0 = arith.constant 0 : i32
    %c0_i32_1 = arith.constant 0 : i32
    return %c0_i32, %c0_i32_0 : i32, i32
  }
  func.func @transform_5(%arg0: i32) -> (i32, i32) {
    %c0_i32 = arith.constant 0 : i32
    %c0_i32_0 = arith.constant 0 : i32
    %c0_i32_1 = arith.constant 0 : i32
    return %c0_i32, %c0_i32_0 : i32, i32
  }
  func.func @transform_6(%arg0: i32) -> (i32, i32) {
    %c0_i32 = arith.constant 0 : i32
    %c0_i32_0 = arith.constant 0 : i32
    return %arg0, %c0_i32 : i32, i32
  }
}

module attributes {stable_mosaic.version = 14 : i64} {
  func.func @body(%arg0: i32, %arg1: memref<1x2000x128xf32, #tpu.memory_space<vmem>>, %arg2: memref<1x2000x128xf32, #tpu.memory_space<vmem>>, %arg3: memref<2000x128xf32, #tpu.memory_space<vmem>>, %arg4: memref<2000x32xf32, #tpu.memory_space<vmem>>, %arg5: memref<1x128xf32, #tpu.memory_space<vmem>>, %arg6: memref<2000x128xf32, #tpu.memory_space<vmem>>) attributes {dimension_semantics = [#tpu.dimension_semantics<arbitrary>], iteration_bounds = array<i64: 5>, scalar_prefetch = 0 : i64, scratch_operands = 0 : i64, tpu.core_type = #tpu.core_type<tc>, window_params = [{transform_indices = @transform_0, window_bounds = array<i64: 1, 2000, 128>}, {transform_indices = @transform_1, window_bounds = array<i64: 1, 2000, 128>}, {transform_indices = @transform_2, window_bounds = array<i64: 2000, 128>}, {transform_indices = @transform_3, window_bounds = array<i64: 2000, 32>}, {pipeline_mode = #tpu.pipeline_mode<synchronous>, transform_indices = @transform_4, window_bounds = array<i64: 1, 128>}, {transform_indices = @transform_5, window_bounds = array<i64: 2000, 128>}]} {
    %get3A = arith.constant 0 : index
    %get3A_0 = arith.constant 0 : index
    %get3A_1 = vector.load %arg4[%get3A, %get3A_0] : memref<2000x32xf32, #tpu.memory_space<vmem>>, vector<2000x32xf32>
    %reduce_sum3A = arith.constant dense<0.000000e+00> : vector<2000xf32>
    %reduce_sum3A_2 = vector.multi_reduction <add>, %get3A_1, %reduce_sum3A [1] : vector<2000x32xf32> to vector<2000xf32>
    %add3A = arith.constant 1.000000e+00 : f32
    %add3A_3 = vector.broadcast %add3A : f32 to vector<2000xf32>
    %add3A_4 = arith.addf %reduce_sum3A_2, %add3A_3 : vector<2000xf32>
    %rsqrt3A = math.rsqrt %add3A_4 : vector<2000xf32>
    %get3A_5 = arith.constant 0 : index
    %get3A_6 = arith.constant 0 : index
    %get3A_7 = arith.constant 0 : index
    %get3A_8 = vector.load %arg1[%get3A_5, %get3A_6, %get3A_7] : memref<1x2000x128xf32, #tpu.memory_space<vmem>>, vector<1x2000x128xf32>
    %get3A_9 = vector.shape_cast %get3A_8 : vector<1x2000x128xf32> to vector<2000x128xf32>
    %get3A_10 = arith.constant 0 : index
    %get3A_11 = arith.constant 0 : index
    %get3A_12 = arith.constant 0 : index
    %get3A_13 = vector.load %arg2[%get3A_10, %get3A_11, %get3A_12] : memref<1x2000x128xf32, #tpu.memory_space<vmem>>, vector<1x2000x128xf32>
    %get3A_14 = vector.shape_cast %get3A_13 : vector<1x2000x128xf32> to vector<2000x128xf32>
    %add3A_15 = arith.addf %get3A_9, %get3A_14 : vector<2000x128xf32>
    %get3A_16 = arith.constant 0 : index
    %get3A_17 = arith.constant 0 : index
    %get3A_18 = vector.load %arg3[%get3A_16, %get3A_17] : memref<2000x128xf32, #tpu.memory_space<vmem>>, vector<2000x128xf32>
    %add3A_19 = arith.addf %add3A_15, %get3A_18 : vector<2000x128xf32>
    %broadcast_in_dim3A = vector.shape_cast %rsqrt3A : vector<2000xf32> to vector<2000x1xf32>
    %mul3A = vector.broadcast %broadcast_in_dim3A : vector<2000x1xf32> to vector<2000x128xf32>
    %mul3A_20 = arith.mulf %add3A_19, %mul3A : vector<2000x128xf32>
    %get3A_21 = arith.constant 0 : index
    %get3A_22 = arith.constant 0 : index
    %get3A_23 = vector.load %arg5[%get3A_21, %get3A_22] : memref<1x128xf32, #tpu.memory_space<vmem>>, vector<1x128xf32>
    %add3A_24 = vector.broadcast %get3A_23 : vector<1x128xf32> to vector<2000x128xf32>
    %add3A_25 = arith.addf %mul3A_20, %add3A_24 : vector<2000x128xf32>
    %swap3A = arith.constant 0 : index
    %swap3A_26 = arith.constant 0 : index
    %swap3A_27 = vector.load %arg6[%swap3A, %swap3A_26] : memref<2000x128xf32, #tpu.memory_space<vmem>>, vector<2000x128xf32>
    tpu.vector_store %arg6[%swap3A, %swap3A_26], %add3A_25 {strides = array<i32>} : memref<2000x128xf32, #tpu.memory_space<vmem>>, vector<2000x128xf32>,
    return
  }
  func.func @transform_0(%arg0: i32) -> (i32, i32, i32) {
    %c0_i32 = arith.constant 0 : i32
    %c0_i32_0 = arith.constant 0 : i32
    %c0_i32_1 = arith.constant 0 : i32
    return %c0_i32, %arg0, %c0_i32_0 : i32, i32, i32
  }
  func.func @transform_1(%arg0: i32) -> (i32, i32, i32) {
    %c1_i32 = arith.constant 1 : i32
    %c0_i32 = arith.constant 0 : i32
    %c0_i32_0 = arith.constant 0 : i32
    return %c1_i32, %arg0, %c0_i32 : i32, i32, i32
  }
  func.func @transform_2(%arg0: i32) -> (i32, i32) {
    %c0_i32 = arith.constant 0 : i32
    %c0_i32_0 = arith.constant 0 : i32
    return %arg0, %c0_i32 : i32, i32
  }
  func.func @transform_3(%arg0: i32) -> (i32, i32) {
    %c0_i32 = arith.constant 0 : i32
    %c0_i32_0 = arith.constant 0 : i32
    return %arg0, %c0_i32 : i32, i32
  }
  func.func @transform_4(%arg0: i32) -> (i32, i32) {
    %c0_i32 = arith.constant 0 : i32
    %c0_i32_0 = arith.constant 0 : i32
    %c0_i32_1 = arith.constant 0 : i32
    return %c0_i32, %c0_i32_0 : i32, i32
  }
  func.func @transform_5(%arg0: i32) -> (i32, i32) {
    %c0_i32 = arith.constant 0 : i32
    %c0_i32_0 = arith.constant 0 : i32
    return %arg0, %c0_i32 : i32, i32
  }
}

</mosaic_0001>

<sc_bundles>
// kernel: kernel.11.cloned.1.call-start
scs
__scs_entry_jumppad:
0x0: {  	(pc) =	sbr.rel $0x88, $3  }
0x1: {  	(tag) =	ssettag $0x0;
	lr =	simm.s32 $0x1  }
0x2: {  	[smem:$0x3F9B] =	sst lr;
	_ =	strace $0xD0000000  }
0x3: {  	_ = 	snop  }
0x4: {  	_ = 	snop  }
0x5: {  	_ = 	snop  }
0x6: {  	_ = 	snop  }
0x7: {  	_ = 	snop  }
__scs_overlays_trampoline_lowered:
0x8: {  	[smem:$0x3FAA] =	sst s0  }
0x9: {  	[smem:$0x3FAB] =	sst s1  }
0xa: {  	[smem:$0x3FAC] =	sst s2  }
0xb: {  	[smem:$0x3FAD] =	sst s3  }
0xc: {  	[smem:$0x3FAE] =	sst s4  }
0xd: {  	[smem:$0x3FAF] =	sst s5  }
0xe: {  	[smem:$0x3FB0] =	sst s6  }
0xf: {  	[smem:$0x3FB1] =	sst s7  }
0x10: {  	[smem:$0x3FB2] =	sst s8  }
0x11: {  	[smem:$0x3FB3] =	sst s9;
	s0 =	simm.s32 @!p0 $0x0  }
0x12: {  	s1 =	sld [smem:$0x3F99];
	s0 =	simm.s32 @p0 $0x1  }
0x13: {  	[smem:$0x3FB4] =	sst s0;
	s0 =	simm.s32 @!p1 $0x0  }
0x14: {  	s2 =	sld [smem:$0x3F98];
	s0 =	simm.s32 @p1 $0x1  }
0x15: {  	[smem:$0x3FB5] =	sst s0;
	s0 =	simm.s32 @!p2 $0x0  }
0x16: {  	s3 =	sld [smem:$0x3FDB];
	s0 =	simm.s32 @p2 $0x1  }
0x17: {  	s4 =	simm.s32 $0x1BF5;
	[smem:$0x3FB7] =	sst s0  }
0x18: {  	s0 =	sld [smem:$0x3F9A];
	_ =	swait.ge [sflag:s4], $0x0  }
0x19: {  	s7 =	sld [smem:$0x3F9B]  }
0x1a: {  	s8 =	sadd.s32 $0xFFFFE003, lr  }
0x1b: {  	s9 =	sadd.s32 $0xFFFFFEF7, lr;
	s5 =	simm.s32 $0xFFFFFFFF;
	p2 =	slt.u32 s8, $0xFFFFF086  }
0x1c: {  	p1 =	slt.u32 s9, $0xF7A;
	s5 =	simm.s32 @!p2 $0x0  }
0x1d: {  	s5 =	simm.s32 @p1 $0x1;
	p0 =	seq.s32 s7, s2  }
0x1e: {  	s7 =	smul.u32 @!p0 $0xF7A, s2;
	p2 =	seq.s32 @!p0 s5, $0x0  }
0x1f: {  	s9 =	smul.u32 $0xF7A, s1;
	s8 =	simm.s32 @!p0 $0x1BF5;
	p2 =	por !p2, p0  }
0x20: {  	[sflag:s8] =	ssyncset.s32 @!p0 $0xFFFFF086;
	s6 =	sadd.s32 @!p0 s3, s7;
	s7 =	simm.s32 @!p0 $0x108  }
0x21: {  	s3 =	sadd.s32 s3, s9;
	s6 =	sadd.s32 @!p0 $0x88, s6;
	s7 =	simm.s32 @p2 $0x1082  }
0x22: {  	[simem:s7], [sflag:s8] =	dma.local @!p0 [hbm:s6], $0xF7A  }
0x23: {  	s9 =	sor.u32 $0xD0000000, s2;
	s6 =	simm.s32 $0x108;
	_ =	swait.ge @!p0 [sflag:s8], $0x0  }
0x24: {  	s3 =	sadd.s32 $0x88, s3;
	s6 =	simm.s32 @!p1 $0x1082;
	[sflag:s4] =	ssyncset.s32 $0xFFFFF086  }
0x25: {  	[simem:s6], [sflag:s4] =	dma.local [hbm:s3], $0xF7A  }
0x26: {  	[smem:$0x3F9B] =	sst s1;
	(tag) =	ssettag s2;
	_ =	strace s9  }
0x27: {  	s1 =	sld [smem:$0x3FAB]  }
0x28: {  	s2 =	sld [smem:$0x3FAC]  }
0x29: {  	s4 =	sld [smem:$0x3FAE]  }
0x2a: {  	p0 =	seq.s32 s5, $0x0;
	s5 =	sld [smem:$0x3FAF]  }
0x2b: {  	s6 =	sld [smem:$0x3FB0]  }
0x2c: {  	s7 =	sld [smem:$0x3FB1]  }
0x2d: {  	s3 =	simm.s32 $0x108;
	s8 =	sld [smem:$0x3FB2]  }
0x2e: {  	s3 =	simm.s32 @!p0 $0x1082;
	s9 =	sld [smem:$0x3FB3]  }
0x2f: {  	lr =	sadd.s32 s0, s3;
	s0 =	sld [smem:$0x3FAA]  }
0x30: {  	s3 =	sld [smem:$0x3FAD]  }
0x31: {  	[smem:$0x3FB6] =	sst s10  }
0x32: {  	s10 =	sld [smem:$0x3FB4];
	_ =	sdelay $0x3  }
0x33: {  	p0 =	seq.s32 s10, $0x1;
	s10 =	sld [smem:$0x3FB6];
	_ =	sdelay $0x3  }
0x34: {  	[smem:$0x3FB6] =	sst s10  }
0x35: {  	s10 =	sld [smem:$0x3FB5];
	_ =	sdelay $0x3  }
0x36: {  	p1 =	seq.s32 s10, $0x1;
	s10 =	sld [smem:$0x3FB6];
	_ =	sdelay $0x3  }
0x37: {  	[smem:$0x3FB6] =	sst s10  }
0x38: {  	s10 =	sld [smem:$0x3FB7]  }
0x39: {  	_ = 	snop;
	(pc) =	sbr.ind lr, $3  }
0x3a: {  	_ = 	snop  }
0x3b: {  	_ = 	snop  }
0x3c: {  	p2 =	seq.s32 s10, $0x1;
	s10 =	sld [smem:$0x3FB6]  }
0x3d: {  	_ =	shalt  }
0x3e: {  	_ =	shalt  }
0x3f: {  	_ =	shalt  }
0x40: {  	_ =	shalt  }
0x41: {  	_ =	shalt  }
0x42: {  	_ =	shalt  }
0x43: {  	_ =	shalt  }
0x44: {  	_ =	shalt  }
0x45: {  	_ =	shalt  }
0x46: {  	_ =	shalt  }
0x47: {  	_ =	shalt  }
0x48: {  	_ =	shalt  }
0x49: {  	_ =	shalt  }
0x4a: {  	_ =	shalt  }
0x4b: {  	_ =	shalt  }
0x4c: {  	_ =	shalt  }
0x4d: {  	_ =	shalt  }
0x4e: {  	_ =	shalt  }
0x4f: {  	_ =	shalt  }
0x50: {  	_ =	shalt  }
0x51: {  	_ =	shalt  }
0x52: {  	_ =	shalt  }
0x53: {  	_ =	shalt  }
0x54: {  	_ =	shalt  }
0x55: {  	_ =	shalt  }
0x56: {  	_ =	shalt  }
0x57: {  	_ =	shalt  }
0x58: {  	_ =	shalt  }
0x59: {  	_ =	shalt  }
0x5a: {  	_ =	shalt  }
0x5b: {  	_ =	shalt  }
0x5c: {  	_ =	shalt  }
0x5d: {  	_ =	shalt  }
0x5e: {  	_ =	shalt  }
0x5f: {  	_ =	shalt  }
0x60: {  	_ =	shalt  }
0x61: {  	_ =	shalt  }
0x62: {  	_ =	shalt  }
0x63: {  	_ =	shalt  }
0x64: {  	_ =	shalt  }
0x65: {  	_ =	shalt  }
0x66: {  	_ =	shalt  }
0x67: {  	_ =	shalt  }
0x68: {  	_ =	shalt  }
0x69: {  	_ =	shalt  }
0x6a: {  	_ =	shalt  }
0x6b: {  	_ =	shalt  }
0x6c: {  	_ =	shalt  }
0x6d: {  	_ =	shalt  }
0x6e: {  	_ =	shalt  }
0x6f: {  	_ =	shalt  }
0x70: {  	_ =	shalt  }
0x71: {  	_ =	shalt  }
0x72: {  	_ =	shalt  }
0x73: {  	_ =	shalt  }
0x74: {  	_ =	shalt  }
0x75: {  	_ =	shalt  }
0x76: {  	_ =	shalt  }
0x77: {  	_ =	shalt  }
0x78: {  	_ =	shalt  }
0x79: {  	_ =	shalt  }
0x7a: {  	_ =	shalt  }
0x7b: {  	_ =	shalt  }
0x7c: {  	_ =	shalt  }
0x7d: {  	_ =	shalt  }
0x7e: {  	_ =	shalt  }
0x7f: {  	_ =	shalt  }
0x80: {  	_ =	shalt  }
0x81: {  	_ =	shalt  }
0x82: {  	_ =	shalt  }
0x83: {  	_ =	shalt  }
0x84: {  	_ =	shalt  }
0x85: {  	_ =	shalt  }
0x86: {  	_ =	shalt  }
0x87: {  	_ =	shalt  }
.Lfunc_end0:
.L_simem_size_0:
called_computation.1_lowered:
.L_overlay_start_0:
0x88: {  	s2 =	sld [smem:$0x3FD9]  }
0x89: {  	s3 =	sld [smem:$0x3FFE];
	_ =	sdelay $0x1  }
0x8a: {  	s1 =	srdreg.scid  }
0x8b: {  	s0 =	sand.u32 $0x1, s1  }
0x8c: {  	s17 =	sshll.u32 s0, $0xA;
	s2 =	sadd.s32 s3, s2  }
0x8d: {  	s2 =	sadd.s32 s2, s17  }
0x8e: {  	[smem:$0x3FC2] =	sst s2  }
0x8f: {  	_ = 	snop  }
0x90: {  	s2 =	sld [smem:$0x3FD0];
	(tm) =	ssettm $0x1  }
0x91: {  	s18 =	sld [smem:$0x3FFB];
	_ =	sdelay $0x3  }
0x92: {  	_ =	strace s18  }
0x93: {  	s3 =	sld [smem:$0x3FFC];
	_ =	sdelay $0x3  }
0x94: {  	_ =	strace s3  }
0x95: {  	s3 =	sld [smem:$0x3FFD];
	_ =	sdelay $0x3  }
0x96: {  	_ =	strace s3  }
0x97: {  	_ =	strace $0x8FFFFFFF  }
0x98: {  	s19 =	sld [smem:$0x3FDB];
	_ =	sdelay $0x1  }
0x99: {  	s4 =	simm.s32 $_scs_section_size  }
0x9a: {  	s5 =	simm.s32 $_size__tile_overlayer_lowered;
	s6 =	simm.s32 $_tile_overlayer_lowered  }
0x9b: {  	s22 =	simm.s32 $0x1BFF;
	s21 =	sshll.u32 s6, $0x1;
	s3 =	sadd.s32 s4, s19  }
0x9c: {  	s7 =	simm.s32 $0x0;
	s20 =	sshll.u32 s5, $0x1;
	s5 =	sadd.s32 s21, s3  }
0x9d: {  	[timem:s7], [sflag:s22] =	dma.local [hbm:s5], s20  }
0x9e: {  	_ =	swait.ge [sflag:s22], s20  }
0x9f: {  	s4 =	ssub.s32 $0x0, s20;
	[sflag:s22] =	ssyncset.done $0x0  }
0xa0: {  	[sflag:s22] =	ssyncadd.s32 s4;
	_ =	sdelay $0x1  }
0xa1: {  	s23 =	simm.s32 $0x1B8B  }
0xa2: {  	_ =	swait.ge [sflag:s23], $0x1  }
0xa3: {  	[sflag:s23] =	ssyncset.done $0x0  }
0xa4: {  	s25 =	simm.s32 $0x1B8E;
	s24 =	sld [smem:$0x3FFE];
	[sflag:s23] =	ssyncadd.s32 $0xFFFFFFFF  }
0xa5: {  	s26 =	simm.s32 $execute0_lowered;
	[smem:$0x3FD2] =	sst s25  }
0xa6: {  	s5 =	sshll.u32 s26, $0x1;
	_ =	strace $0x80000049;
	[dreg:$0x1] =	wrdreg $0xFFFFFFFF  }
0xa7: {  	s28 =	simm.s32 $_size_execute0_lowered;
	s3 =	sadd.s32 s3, s5;
	[dreg:$0x0] =	wrdreg $0x0  }
0xa8: {  	s5 =	sshll.u32 s28, $0x1;
	[dreg:$0x2] =	wrdreg s3  }
0xa9: {  	[dreg:$0x3] =	wrdreg s5  }
0xaa: {  	[dreg:$0x4] =	wrdreg $0xC0  }
0xab: {  	_ =	task [dreg:s7], $0x5FFFF  }
0xac: {  	[dreg:$0x1] =	wrdreg $0xFFFFFFFF  }
0xad: {  	[dreg:$0x0] =	wrdreg $0x60  }
0xae: {  	[dreg:$0x2] =	wrdreg s24  }
0xaf: {  	[dreg:$0x3] =	wrdreg s2  }
0xb0: {  	[dreg:$0x4] =	wrdreg $0xA0000  }
0xb1: {  	[dreg:$0x5] =	wrdreg $0x9  }
0xb2: {  	_ =	task.clear_ibuf [dreg:s7], $0x6FFFF;
	_ =	strace $0x90000049  }
0xb3: {  	s29 =	simm.s32 $0x9;
	_ =	strace $0x8000004B  }
0xb4: {  	_ =	swait.ge [sflag:s29], $0x1  }
0xb5: {  	[sflag:s29] =	ssyncadd.s32 $0xFFFFFFFF  }
0xb6: {  	_ =	strace $0x9000004B  }
0xb7: {  	_ =	sfence  }
0xb8: {  	s30 =	sld [smem:$0x0];
	_ =	sdelay $0x2  }
0xb9: {  	s31 =	sshll.u32 s1, $0xD;
	s1 =	sshrl.u32 s1, $0x2  }
0xba: {  	s3 =	sand.u32 $0x4000, s31;
	s1 =	sadd.s32 s1, s30  }
0xbb: {  	s0 =	sor.u32 s3, s0;
	s1 =	sshll.u32 s1, $0x11  }
0xbc: {  	s0 =	sor.u32 s1, s0  }
0xbd: {  	s0 =	sadd.s32 $0x8F2B, s0  }
0xbe: {  	[sflag:s0] =	ssyncadd.remote.s32 $0x1  }
0xbf: {  	_ =	sfence.sel $0xFFFF  }
0xc0: {  	[dreg:$0x0] =	wrdreg $0xFFFFFFFF;
	(pc) =	sbr.abs _section_cstart, $3  }
0xc1: {  	[dreg:$0x1] =	wrdreg $0xFFFFFFFF  }
0xc2: {  	_ =	task.clear_ibuf [dreg:s7], $0x2FFFF;
	_ =	strace $0x9FFFFFFF  }
0xc3: {  	(tm) =	ssettm $0x7FFFFFFF  }
tec
execute0_lowered:
.L_overlay_start_1:
0x0: {  	(tag) =	ssettag $0x1  }
0x1: {  	s6 =	rddreg [dreg:$0x0]  }
0x2: {  	s0 =	srdreg.scid;
	s9 =	rddreg [dreg:$0x1]  }
0x3: {  	s2 =	rddreg [dreg:$0x2];
	s7 =	sand.u32 $0x1, s0  }
0x4: {  	s0 =	stileid.u32;
	s4 =	smul.u32 $0x30000, s7  }
0x5: {  	s1 =	rddreg [dreg:$0x3];
	s3 =	simm.s32 $0x0;
	s5 =	smul.u32 $0x3000, s0  }
0x6: {  	[smem:$0x7FF] =	sst s3;
	s8 =	smul.u32 $0x140000, s7  }
0x7: {  	s16 =	simm.s32 $0x0;
	s11 =	smul.u32 $0x14000, s0;
	_ =	strace $0x8000004A  }
0x8: {  	s28 =	ssub.s32 $0x2, s7;
	s14 =	smul.u32 $0x50000, s0;
	s30 =	sshll.u32 s0, $0x6  }
0x9: {  	p0 =	seq.s32 s7, $0x0;
	s13 =	sshrl.u32 s28, $0x1;
	s7 =	sor.u32 $0x1C01, s30  }
0xa: {  	s4 =	sadd.s32 s5, s4;
	s5 =	sadd.s32 $0x34C00, s6;
	s8 =	sadd.s32 s11, s8  }
0xb: {  	s11 =	ssub.s32 s28, s13;
	s29 =	sshrl.u32 s14, $0x2;
	s13 =	simm.s32 $0x1  }
0xc: {  	s14 =	simm.s32 $0x80;
	s10 =	sshrl.u32 s4, $0x3;
	s4 =	sadd.s32 $0xDA00, s6  }
0xd: {  	s8 =	sshrl.u32 s8, $0x3;
	s31 =	sadd.s32 s29, s2;
	s11 =	smax.u32 s11, $0x1  }
0xe: {  	s12 =	sadd.s32 s10, s6;
	s15 =	sadd.s32 s8, s6;
	s6 =	simm.s32 $0x3F  }
0xf: {  	s9 =	sadd.s32 s9, s10;
	s6 =	simm.s32 @!p0 $0x5E;
	s8 =	sadd.s32 $0x1A00, s12  }
0x10: {  	s10 =	sadd.s32 $0x37400, s15;
	s12 =	sshrl.u32 s31, $0x3;
	s15 =	simm.s32 $0x6000  }
.LBB2_1:
0x11: {  	[spmem:s12], [sflag:s7] =	dma.local [hbm:s5], $0x2800  }
0x12: {  	_ =	swait.ge [sflag:s13], $0x2800  }
0x13: {  	[sflag:s13] =	ssyncset.done $0x0  }
0x14: {  	[sflag:s13] =	ssyncadd.s32 $0xFFFFD800  }
0x15: {  	[tilespmem:s3], [sflag:$0x1] =	stream.linear.gather [hbm4b:s8+s3], $0x2F00, $0x38;
	[tilespmem:$0x1E000] =	vst v63  }
0x16: {  	_ =	swait.ge [sflag:s13], $0x2F00  }
0x17: {  	[sflag:s13] =	ssyncset.done $0x0  }
0x18: {  	s17 =	simm.s32 $0x3000;
	[sflag:s13] =	ssyncadd.s32 $0xFFFFD100  }
0x19: {  	[tilespmem:s17], [sflag:$0x1] =	stream.linear.gather [hbm4b:s9+s3], $0x2F00, $0x38;
	[tilespmem:$0x1E000] =	vst v63  }
0x1a: {  	_ =	swait.ge [sflag:s13], $0x2F00  }
0x1b: {  	[sflag:s13] =	ssyncset.done $0x0  }
0x1c: {  	[sflag:s13] =	ssyncadd.s32 $0xFFFFD100  }
0x1d: {  	[bflag:$0x0] =	sbarrier.arrive $0xFFFF  }
0x1e: {  	[tilespmem:s15], [sflag:$0x1] =	stream.indirect.gather [hbm4b:s4+s14], $0x80, s3, s14, $0xb8;
	[tilespmem:$0x1E000] =	vst v63  }
0x1f: {  	p0 =	sne.s32 s6, $0x1;
	_ =	swait.ge [sflag:s13], $0x4000  }
.Ltmp0:
0x20: {  	[sflag:s13] =	ssyncset.done $0x0;
	(pc) =	sbr.rel @!p0 .LBB2_3-.Ltmp0, $4  }
0x21: {  	[sflag:s13] =	ssyncadd.s32 $0xFFFFC000  }
0x22: {  	[spmem:s2] =	stream.indirect.scatter.add.f32 [tilespmem:s15], [sflag:$0x1], $0x80, s17, s14, $0xb8;
	[tilespmem:$0x1E000] =	vst v63  }
0x23: {  	_ =	swait.ge [sflag:s13], $0x4000  }
0x24: {  	s18 =	sadd.s32 $0xFFFFFFFF, s6;
	s19 =	simm.s32 $0x0;
	[sflag:s13] =	ssyncset.done $0x0  }
.LBB2_2:
0x25: {  	[sflag:s13] =	ssyncadd.s32 $0xFFFFC000;
	s19 =	sadd.s32 $0x80, s19;
	s17 =	sadd.s32 $0x80, s17  }
0x26: {  	[tilespmem:s15], [sflag:$0x1] =	stream.indirect.gather [hbm4b:s4+s14], $0x80, s19, s14, $0xb8;
	[tilespmem:$0x1E000] =	vst v63  }
0x27: {  	p0 =	sne.s32 s18, $0x1;
	s18 =	sadd.s32 $0xFFFFFFFF, s18;
	_ =	swait.ge [sflag:s13], $0x4000  }
.Ltmp1:
0x28: {  	[sflag:s13] =	ssyncset.done $0x0;
	(pc) =	sbr.rel @p0 .LBB2_2-.Ltmp1, $4  }
0x29: {  	[sflag:s13] =	ssyncadd.s32 $0xFFFFC000  }
0x2a: {  	[spmem:s2] =	stream.indirect.scatter.add.f32 [tilespmem:s15], [sflag:$0x1], $0x80, s17, s14, $0xb8;
	[tilespmem:$0x1E000] =	vst v63  }
0x2b: {  	_ =	swait.ge [sflag:s13], $0x4000  }
0x2c: {  	[sflag:s13] =	ssyncset.done $0x0  }
.LBB2_3:
0x2d: {  	s16 =	sadd.s32 $0x1, s16  }
0x2e: {  	[sflag:s13] =	ssyncadd.s32 $0xFFFFC000;
	p0 =	sne.s32 s16, s11  }
.Ltmp2:
0x2f: {  	[bflag:$0x0] =	sbarrier.arrive $0xFFFF;
	(pc) =	sbr.rel @p0 .LBB2_1-.Ltmp2, $4  }
0x30: {  	[hbm:s10], [sflag:s7] =	dma.local [spmem:s12], $0x2800  }
0x31: {  	_ =	swait.ge [sflag:s13], $0x2800  }
0x32: {  	[sflag:s13] =	ssyncset.done $0x0  }
0x33: {  	[sflag:s13] =	ssyncadd.s32 $0xFFFFD800  }
0x34: {  	_ =	sfence.sel $0x180000  }
0x35: {  	[bflag:$0x0] =	sbarrier.arrive $0xFFFF  }
0x36: {  	p0 =	sne.s32 s0, $0x0;
	_ =	strace $0x9000004A  }
0x37: {  	s0 =	sadd.s32 @!p0 $0x100000, s1;
	[bflag:$0x2] =	sbarrier.arrive $0xFFFF  }
0x38: {  	[sflag:s0] =	ssyncadd.tile.s32 @!p0 $0x1;
	_ =	shalt  }
.Lfunc_end2:
_tile_overlayer_lowered:
.L_overlay_start_2:
0x39: {  	(tag) =	ssettag $0x2  }
0x3a: {  	s0 =	rddreg [dreg:$0x0];
	s2 =	stileid.u32  }
0x3b: {  	s1 =	rddreg [dreg:$0x1];
	p0 =	sne.s32 s2, $0x0  }
0x3c: {  	s3 =	rddreg [dreg:$0x2];
	[bflag:$0x3] =	sbarrier.arrive $0xFFFF;
	s2 =	simm.s32 @!p0 $0x1C01  }
0x3d: {  	[timem:s3], [sflag:s2] =	dma.local @!p0 [hbm:s0], s1  }
0x3e: {  	s0 =	simm.s32 @!p0 $0x1  }
0x3f: {  	_ =	swait.ge @!p0 [sflag:s0], s1  }
0x40: {  	s1 =	ssub.s32 @!p0 $0x0, s1;
	[sflag:s0] =	ssyncset.done @!p0 $0x0  }
0x41: {  	[sflag:s0] =	ssyncadd.s32 @!p0 s1  }
0x42: {  	[bflag:$0x3] =	sbarrier.arrive $0xFFFF  }
0x43: {  	_ =	shalt  }

// kernel: kernel.14.cloned.1.call-start
scs
__scs_entry_jumppad:
0x0: {  	(pc) =	sbr.rel $0x88, $3  }
0x1: {  	(tag) =	ssettag $0x0;
	lr =	simm.s32 $0x1  }
0x2: {  	[smem:$0x3F9B] =	sst lr;
	_ =	strace $0xD0000000  }
0x3: {  	_ = 	snop  }
0x4: {  	_ = 	snop  }
0x5: {  	_ = 	snop  }
0x6: {  	_ = 	snop  }
0x7: {  	_ = 	snop  }
__scs_overlays_trampoline_lowered:
0x8: {  	[smem:$0x3FAA] =	sst s0  }
0x9: {  	[smem:$0x3FAB] =	sst s1  }
0xa: {  	[smem:$0x3FAC] =	sst s2  }
0xb: {  	[smem:$0x3FAD] =	sst s3  }
0xc: {  	[smem:$0x3FAE] =	sst s4  }
0xd: {  	[smem:$0x3FAF] =	sst s5  }
0xe: {  	[smem:$0x3FB0] =	sst s6  }
0xf: {  	[smem:$0x3FB1] =	sst s7  }
0x10: {  	[smem:$0x3FB2] =	sst s8  }
0x11: {  	[smem:$0x3FB3] =	sst s9;
	s0 =	simm.s32 @!p0 $0x0  }
0x12: {  	s1 =	sld [smem:$0x3F99];
	s0 =	simm.s32 @p0 $0x1  }
0x13: {  	[smem:$0x3FB4] =	sst s0;
	s0 =	simm.s32 @!p1 $0x0  }
0x14: {  	s2 =	sld [smem:$0x3F98];
	s0 =	simm.s32 @p1 $0x1  }
0x15: {  	[smem:$0x3FB5] =	sst s0;
	s0 =	simm.s32 @!p2 $0x0  }
0x16: {  	s3 =	sld [smem:$0x3FDB];
	s0 =	simm.s32 @p2 $0x1  }
0x17: {  	s4 =	simm.s32 $0x1BF5;
	[smem:$0x3FB7] =	sst s0  }
0x18: {  	s0 =	sld [smem:$0x3F9A];
	_ =	swait.ge [sflag:s4], $0x0  }
0x19: {  	s7 =	sld [smem:$0x3F9B]  }
0x1a: {  	s8 =	sadd.s32 $0xFFFFE003, lr  }
0x1b: {  	s9 =	sadd.s32 $0xFFFFFEF7, lr;
	s5 =	simm.s32 $0xFFFFFFFF;
	p2 =	slt.u32 s8, $0xFFFFF086  }
0x1c: {  	p1 =	slt.u32 s9, $0xF7A;
	s5 =	simm.s32 @!p2 $0x0  }
0x1d: {  	s5 =	simm.s32 @p1 $0x1;
	p0 =	seq.s32 s7, s2  }
0x1e: {  	s7 =	smul.u32 @!p0 $0xF7A, s2;
	p2 =	seq.s32 @!p0 s5, $0x0  }
0x1f: {  	s9 =	smul.u32 $0xF7A, s1;
	s8 =	simm.s32 @!p0 $0x1BF5;
	p2 =	por !p2, p0  }
0x20: {  	[sflag:s8] =	ssyncset.s32 @!p0 $0xFFFFF086;
	s6 =	sadd.s32 @!p0 s3, s7;
	s7 =	simm.s32 @!p0 $0x108  }
0x21: {  	s3 =	sadd.s32 s3, s9;
	s6 =	sadd.s32 @!p0 $0x88, s6;
	s7 =	simm.s32 @p2 $0x1082  }
0x22: {  	[simem:s7], [sflag:s8] =	dma.local @!p0 [hbm:s6], $0xF7A  }
0x23: {  	s9 =	sor.u32 $0xD0000000, s2;
	s6 =	simm.s32 $0x108;
	_ =	swait.ge @!p0 [sflag:s8], $0x0  }
0x24: {  	s3 =	sadd.s32 $0x88, s3;
	s6 =	simm.s32 @!p1 $0x1082;
	[sflag:s4] =	ssyncset.s32 $0xFFFFF086  }
0x25: {  	[simem:s6], [sflag:s4] =	dma.local [hbm:s3], $0xF7A  }
0x26: {  	[smem:$0x3F9B] =	sst s1;
	(tag) =	ssettag s2;
	_ =	strace s9  }
0x27: {  	s1 =	sld [smem:$0x3FAB]  }
0x28: {  	s2 =	sld [smem:$0x3FAC]  }
0x29: {  	s4 =	sld [smem:$0x3FAE]  }
0x2a: {  	p0 =	seq.s32 s5, $0x0;
	s5 =	sld [smem:$0x3FAF]  }
0x2b: {  	s6 =	sld [smem:$0x3FB0]  }
0x2c: {  	s7 =	sld [smem:$0x3FB1]  }
0x2d: {  	s3 =	simm.s32 $0x108;
	s8 =	sld [smem:$0x3FB2]  }
0x2e: {  	s3 =	simm.s32 @!p0 $0x1082;
	s9 =	sld [smem:$0x3FB3]  }
0x2f: {  	lr =	sadd.s32 s0, s3;
	s0 =	sld [smem:$0x3FAA]  }
0x30: {  	s3 =	sld [smem:$0x3FAD]  }
0x31: {  	[smem:$0x3FB6] =	sst s10  }
0x32: {  	s10 =	sld [smem:$0x3FB4];
	_ =	sdelay $0x3  }
0x33: {  	p0 =	seq.s32 s10, $0x1;
	s10 =	sld [smem:$0x3FB6];
	_ =	sdelay $0x3  }
0x34: {  	[smem:$0x3FB6] =	sst s10  }
0x35: {  	s10 =	sld [smem:$0x3FB5];
	_ =	sdelay $0x3  }
0x36: {  	p1 =	seq.s32 s10, $0x1;
	s10 =	sld [smem:$0x3FB6];
	_ =	sdelay $0x3  }
0x37: {  	[smem:$0x3FB6] =	sst s10  }
0x38: {  	s10 =	sld [smem:$0x3FB7]  }
0x39: {  	_ = 	snop;
	(pc) =	sbr.ind lr, $3  }
0x3a: {  	_ = 	snop  }
0x3b: {  	_ = 	snop  }
0x3c: {  	p2 =	seq.s32 s10, $0x1;
	s10 =	sld [smem:$0x3FB6]  }
0x3d: {  	_ =	shalt  }
0x3e: {  	_ =	shalt  }
0x3f: {  	_ =	shalt  }
0x40: {  	_ =	shalt  }
0x41: {  	_ =	shalt  }
0x42: {  	_ =	shalt  }
0x43: {  	_ =	shalt  }
0x44: {  	_ =	shalt  }
0x45: {  	_ =	shalt  }
0x46: {  	_ =	shalt  }
0x47: {  	_ =	shalt  }
0x48: {  	_ =	shalt  }
0x49: {  	_ =	shalt  }
0x4a: {  	_ =	shalt  }
0x4b: {  	_ =	shalt  }
0x4c: {  	_ =	shalt  }
0x4d: {  	_ =	shalt  }
0x4e: {  	_ =	shalt  }
0x4f: {  	_ =	shalt  }
0x50: {  	_ =	shalt  }
0x51: {  	_ =	shalt  }
0x52: {  	_ =	shalt  }
0x53: {  	_ =	shalt  }
0x54: {  	_ =	shalt  }
0x55: {  	_ =	shalt  }
0x56: {  	_ =	shalt  }
0x57: {  	_ =	shalt  }
0x58: {  	_ =	shalt  }
0x59: {  	_ =	shalt  }
0x5a: {  	_ =	shalt  }
0x5b: {  	_ =	shalt  }
0x5c: {  	_ =	shalt  }
0x5d: {  	_ =	shalt  }
0x5e: {  	_ =	shalt  }
0x5f: {  	_ =	shalt  }
0x60: {  	_ =	shalt  }
0x61: {  	_ =	shalt  }
0x62: {  	_ =	shalt  }
0x63: {  	_ =	shalt  }
0x64: {  	_ =	shalt  }
0x65: {  	_ =	shalt  }
0x66: {  	_ =	shalt  }
0x67: {  	_ =	shalt  }
0x68: {  	_ =	shalt  }
0x69: {  	_ =	shalt  }
0x6a: {  	_ =	shalt  }
0x6b: {  	_ =	shalt  }
0x6c: {  	_ =	shalt  }
0x6d: {  	_ =	shalt  }
0x6e: {  	_ =	shalt  }
0x6f: {  	_ =	shalt  }
0x70: {  	_ =	shalt  }
0x71: {  	_ =	shalt  }
0x72: {  	_ =	shalt  }
0x73: {  	_ =	shalt  }
0x74: {  	_ =	shalt  }
0x75: {  	_ =	shalt  }
0x76: {  	_ =	shalt  }
0x77: {  	_ =	shalt  }
0x78: {  	_ =	shalt  }
0x79: {  	_ =	shalt  }
0x7a: {  	_ =	shalt  }
0x7b: {  	_ =	shalt  }
0x7c: {  	_ =	shalt  }
0x7d: {  	_ =	shalt  }
0x7e: {  	_ =	shalt  }
0x7f: {  	_ =	shalt  }
0x80: {  	_ =	shalt  }
0x81: {  	_ =	shalt  }
0x82: {  	_ =	shalt  }
0x83: {  	_ =	shalt  }
0x84: {  	_ =	shalt  }
0x85: {  	_ =	shalt  }
0x86: {  	_ =	shalt  }
0x87: {  	_ =	shalt  }
.Lfunc_end0:
.L_simem_size_0:
called_computation.2_lowered:
.L_overlay_start_0:
0x88: {  	s2 =	sld [smem:$0x3FD9]  }
0x89: {  	s3 =	sld [smem:$0x3FFE];
	_ =	sdelay $0x1  }
0x8a: {  	s1 =	srdreg.scid  }
0x8b: {  	s0 =	sand.u32 $0x1, s1  }
0x8c: {  	s17 =	sshll.u32 s0, $0xA;
	s2 =	sadd.s32 s3, s2  }
0x8d: {  	s2 =	sadd.s32 s2, s17  }
0x8e: {  	[smem:$0x3FC2] =	sst s2  }
0x8f: {  	_ = 	snop  }
0x90: {  	s2 =	sld [smem:$0x3FD0];
	(tm) =	ssettm $0x1  }
0x91: {  	s18 =	sld [smem:$0x3FFB];
	_ =	sdelay $0x3  }
0x92: {  	_ =	strace s18  }
0x93: {  	s3 =	sld [smem:$0x3FFC];
	_ =	sdelay $0x3  }
0x94: {  	_ =	strace s3  }
0x95: {  	s3 =	sld [smem:$0x3FFD];
	_ =	sdelay $0x3  }
0x96: {  	_ =	strace s3  }
0x97: {  	_ =	strace $0x8FFFFFFF  }
0x98: {  	s19 =	sld [smem:$0x3FDB];
	_ =	sdelay $0x1  }
0x99: {  	s4 =	simm.s32 $_scs_section_size  }
0x9a: {  	s5 =	simm.s32 $_size__tile_overlayer_lowered;
	s6 =	simm.s32 $_tile_overlayer_lowered  }
0x9b: {  	s22 =	simm.s32 $0x1BFF;
	s21 =	sshll.u32 s6, $0x1;
	s3 =	sadd.s32 s4, s19  }
0x9c: {  	s7 =	simm.s32 $0x0;
	s20 =	sshll.u32 s5, $0x1;
	s5 =	sadd.s32 s21, s3  }
0x9d: {  	[timem:s7], [sflag:s22] =	dma.local [hbm:s5], s20  }
0x9e: {  	_ =	swait.ge [sflag:s22], s20  }
0x9f: {  	s4 =	ssub.s32 $0x0, s20;
	[sflag:s22] =	ssyncset.done $0x0  }
0xa0: {  	[sflag:s22] =	ssyncadd.s32 s4;
	_ =	sdelay $0x1  }
0xa1: {  	s23 =	simm.s32 $0x1B8B  }
0xa2: {  	_ =	swait.ge [sflag:s23], $0x1  }
0xa3: {  	[sflag:s23] =	ssyncset.done $0x0  }
0xa4: {  	s25 =	simm.s32 $0x1B8E;
	s24 =	sld [smem:$0x3FFE];
	[sflag:s23] =	ssyncadd.s32 $0xFFFFFFFF  }
0xa5: {  	s26 =	simm.s32 $execute0_lowered;
	[smem:$0x3FD2] =	sst s25  }
0xa6: {  	s5 =	sshll.u32 s26, $0x1;
	_ =	strace $0x8000004C;
	[dreg:$0x1] =	wrdreg $0xFFFFFFFF  }
0xa7: {  	s28 =	simm.s32 $_size_execute0_lowered;
	s3 =	sadd.s32 s3, s5;
	[dreg:$0x0] =	wrdreg $0x0  }
0xa8: {  	s5 =	sshll.u32 s28, $0x1;
	[dreg:$0x2] =	wrdreg s3  }
0xa9: {  	[dreg:$0x3] =	wrdreg s5  }
0xaa: {  	[dreg:$0x4] =	wrdreg $0xC0  }
0xab: {  	_ =	task [dreg:s7], $0x5FFFF  }
0xac: {  	[dreg:$0x1] =	wrdreg $0xFFFFFFFF  }
0xad: {  	[dreg:$0x0] =	wrdreg $0x60  }
0xae: {  	[dreg:$0x2] =	wrdreg s24  }
0xaf: {  	[dreg:$0x3] =	wrdreg s2  }
0xb0: {  	[dreg:$0x4] =	wrdreg $0xA0000  }
0xb1: {  	[dreg:$0x5] =	wrdreg $0x9  }
0xb2: {  	_ =	task.clear_ibuf [dreg:s7], $0x6FFFF;
	_ =	strace $0x9000004C  }
0xb3: {  	s29 =	simm.s32 $0x9;
	_ =	strace $0x8000004E  }
0xb4: {  	_ =	swait.ge [sflag:s29], $0x1  }
0xb5: {  	[sflag:s29] =	ssyncadd.s32 $0xFFFFFFFF  }
0xb6: {  	_ =	strace $0x9000004E  }
0xb7: {  	_ =	sfence  }
0xb8: {  	s30 =	sld [smem:$0x0];
	_ =	sdelay $0x2  }
0xb9: {  	s31 =	sshll.u32 s1, $0xD;
	s1 =	sshrl.u32 s1, $0x2  }
0xba: {  	s3 =	sand.u32 $0x4000, s31;
	s1 =	sadd.s32 s1, s30  }
0xbb: {  	s0 =	sor.u32 s3, s0;
	s1 =	sshll.u32 s1, $0x11  }
0xbc: {  	s0 =	sor.u32 s1, s0  }
0xbd: {  	s0 =	sadd.s32 $0x8F2B, s0  }
0xbe: {  	[sflag:s0] =	ssyncadd.remote.s32 $0x1  }
0xbf: {  	_ =	sfence.sel $0xFFFF  }
0xc0: {  	[dreg:$0x0] =	wrdreg $0xFFFFFFFF;
	(pc) =	sbr.abs _section_cstart, $3  }
0xc1: {  	[dreg:$0x1] =	wrdreg $0xFFFFFFFF  }
0xc2: {  	_ =	task.clear_ibuf [dreg:s7], $0x2FFFF;
	_ =	strace $0x9FFFFFFF  }
0xc3: {  	(tm) =	ssettm $0x7FFFFFFF  }
tec
execute0_lowered:
.L_overlay_start_1:
0x0: {  	(tag) =	ssettag $0x1  }
0x1: {  	s6 =	rddreg [dreg:$0x0]  }
0x2: {  	s0 =	srdreg.scid;
	s9 =	rddreg [dreg:$0x1]  }
0x3: {  	s2 =	rddreg [dreg:$0x2];
	s7 =	sand.u32 $0x1, s0  }
0x4: {  	s0 =	stileid.u32;
	s4 =	smul.u32 $0x30000, s7  }
0x5: {  	s1 =	rddreg [dreg:$0x3];
	s3 =	simm.s32 $0x0;
	s5 =	smul.u32 $0x3000, s0  }
0x6: {  	[smem:$0x7FF] =	sst s3;
	s8 =	smul.u32 $0x140000, s7  }
0x7: {  	s16 =	simm.s32 $0x0;
	s11 =	smul.u32 $0x14000, s0;
	_ =	strace $0x8000004D  }
0x8: {  	s28 =	ssub.s32 $0x2, s7;
	s14 =	smul.u32 $0x50000, s0;
	s30 =	sshll.u32 s0, $0x6  }
0x9: {  	p0 =	seq.s32 s7, $0x0;
	s13 =	sshrl.u32 s28, $0x1;
	s7 =	sor.u32 $0x1C01, s30  }
0xa: {  	s4 =	sadd.s32 s5, s4;
	s5 =	sadd.s32 $0x34C00, s6;
	s8 =	sadd.s32 s11, s8  }
0xb: {  	s11 =	ssub.s32 s28, s13;
	s29 =	sshrl.u32 s14, $0x2;
	s13 =	simm.s32 $0x1  }
0xc: {  	s14 =	simm.s32 $0x80;
	s10 =	sshrl.u32 s4, $0x3;
	s4 =	sadd.s32 $0xDA00, s6  }
0xd: {  	s8 =	sshrl.u32 s8, $0x3;
	s31 =	sadd.s32 s29, s2;
	s11 =	smax.u32 s11, $0x1  }
0xe: {  	s12 =	sadd.s32 s10, s6;
	s15 =	sadd.s32 s8, s6;
	s6 =	simm.s32 $0x3F  }
0xf: {  	s9 =	sadd.s32 s9, s10;
	s6 =	simm.s32 @!p0 $0x5E;
	s8 =	sadd.s32 $0x1A00, s12  }
0x10: {  	s10 =	sadd.s32 $0x37400, s15;
	s12 =	sshrl.u32 s31, $0x3;
	s15 =	simm.s32 $0x6000  }
.LBB2_1:
0x11: {  	[spmem:s12], [sflag:s7] =	dma.local [hbm:s5], $0x2800  }
0x12: {  	_ =	swait.ge [sflag:s13], $0x2800  }
0x13: {  	[sflag:s13] =	ssyncset.done $0x0  }
0x14: {  	[sflag:s13] =	ssyncadd.s32 $0xFFFFD800  }
0x15: {  	[tilespmem:s3], [sflag:$0x1] =	stream.linear.gather [hbm4b:s8+s3], $0x2F00, $0x38;
	[tilespmem:$0x1E000] =	vst v63  }
0x16: {  	_ =	swait.ge [sflag:s13], $0x2F00  }
0x17: {  	[sflag:s13] =	ssyncset.done $0x0  }
0x18: {  	s17 =	simm.s32 $0x3000;
	[sflag:s13] =	ssyncadd.s32 $0xFFFFD100  }
0x19: {  	[tilespmem:s17], [sflag:$0x1] =	stream.linear.gather [hbm4b:s9+s3], $0x2F00, $0x38;
	[tilespmem:$0x1E000] =	vst v63  }
0x1a: {  	_ =	swait.ge [sflag:s13], $0x2F00  }
0x1b: {  	[sflag:s13] =	ssyncset.done $0x0  }
0x1c: {  	[sflag:s13] =	ssyncadd.s32 $0xFFFFD100  }
0x1d: {  	[bflag:$0x0] =	sbarrier.arrive $0xFFFF  }
0x1e: {  	[tilespmem:s15], [sflag:$0x1] =	stream.indirect.gather [hbm4b:s4+s14], $0x80, s3, s14, $0xb8;
	[tilespmem:$0x1E000] =	vst v63  }
0x1f: {  	p0 =	sne.s32 s6, $0x1;
	_ =	swait.ge [sflag:s13], $0x4000  }
.Ltmp0:
0x20: {  	[sflag:s13] =	ssyncset.done $0x0;
	(pc) =	sbr.rel @!p0 .LBB2_3-.Ltmp0, $4  }
0x21: {  	[sflag:s13] =	ssyncadd.s32 $0xFFFFC000  }
0x22: {  	[spmem:s2] =	stream.indirect.scatter.add.f32 [tilespmem:s15], [sflag:$0x1], $0x80, s17, s14, $0xb8;
	[tilespmem:$0x1E000] =	vst v63  }
0x23: {  	_ =	swait.ge [sflag:s13], $0x4000  }
0x24: {  	s18 =	sadd.s32 $0xFFFFFFFF, s6;
	s19 =	simm.s32 $0x0;
	[sflag:s13] =	ssyncset.done $0x0  }
.LBB2_2:
0x25: {  	[sflag:s13] =	ssyncadd.s32 $0xFFFFC000;
	s19 =	sadd.s32 $0x80, s19;
	s17 =	sadd.s32 $0x80, s17  }
0x26: {  	[tilespmem:s15], [sflag:$0x1] =	stream.indirect.gather [hbm4b:s4+s14], $0x80, s19, s14, $0xb8;
	[tilespmem:$0x1E000] =	vst v63  }
0x27: {  	p0 =	sne.s32 s18, $0x1;
	s18 =	sadd.s32 $0xFFFFFFFF, s18;
	_ =	swait.ge [sflag:s13], $0x4000  }
.Ltmp1:
0x28: {  	[sflag:s13] =	ssyncset.done $0x0;
	(pc) =	sbr.rel @p0 .LBB2_2-.Ltmp1, $4  }
0x29: {  	[sflag:s13] =	ssyncadd.s32 $0xFFFFC000  }
0x2a: {  	[spmem:s2] =	stream.indirect.scatter.add.f32 [tilespmem:s15], [sflag:$0x1], $0x80, s17, s14, $0xb8;
	[tilespmem:$0x1E000] =	vst v63  }
0x2b: {  	_ =	swait.ge [sflag:s13], $0x4000  }
0x2c: {  	[sflag:s13] =	ssyncset.done $0x0  }
.LBB2_3:
0x2d: {  	s16 =	sadd.s32 $0x1, s16  }
0x2e: {  	[sflag:s13] =	ssyncadd.s32 $0xFFFFC000;
	p0 =	sne.s32 s16, s11  }
.Ltmp2:
0x2f: {  	[bflag:$0x0] =	sbarrier.arrive $0xFFFF;
	(pc) =	sbr.rel @p0 .LBB2_1-.Ltmp2, $4  }
0x30: {  	[hbm:s10], [sflag:s7] =	dma.local [spmem:s12], $0x2800  }
0x31: {  	_ =	swait.ge [sflag:s13], $0x2800  }
0x32: {  	[sflag:s13] =	ssyncset.done $0x0  }
0x33: {  	[sflag:s13] =	ssyncadd.s32 $0xFFFFD800  }
0x34: {  	_ =	sfence.sel $0x180000  }
0x35: {  	[bflag:$0x0] =	sbarrier.arrive $0xFFFF  }
0x36: {  	p0 =	sne.s32 s0, $0x0;
	_ =	strace $0x9000004D  }
0x37: {  	s0 =	sadd.s32 @!p0 $0x100000, s1;
	[bflag:$0x2] =	sbarrier.arrive $0xFFFF  }
0x38: {  	[sflag:s0] =	ssyncadd.tile.s32 @!p0 $0x1;
	_ =	shalt  }
.Lfunc_end2:
_tile_overlayer_lowered:
.L_overlay_start_2:
0x39: {  	(tag) =	ssettag $0x2  }
0x3a: {  	s0 =	rddreg [dreg:$0x0];
	s2 =	stileid.u32  }
0x3b: {  	s1 =	rddreg [dreg:$0x1];
	p0 =	sne.s32 s2, $0x0  }
0x3c: {  	s3 =	rddreg [dreg:$0x2];
	[bflag:$0x3] =	sbarrier.arrive $0xFFFF;
	s2 =	simm.s32 @!p0 $0x1C01  }
0x3d: {  	[timem:s3], [sflag:s2] =	dma.local @!p0 [hbm:s0], s1  }
0x3e: {  	s0 =	simm.s32 @!p0 $0x1  }
0x3f: {  	_ =	swait.ge @!p0 [sflag:s0], s1  }
0x40: {  	s1 =	ssub.s32 @!p0 $0x0, s1;
	[sflag:s0] =	ssyncset.done @!p0 $0x0  }
0x41: {  	[sflag:s0] =	ssyncadd.s32 @!p0 s1  }
0x42: {  	[bflag:$0x3] =	sbarrier.arrive $0xFFFF  }
0x43: {  	_ =	shalt  }

// kernel: kernel.8.cloned.1.call-start
scs
__scs_entry_jumppad:
0x0: {  	(pc) =	sbr.rel $0x88, $3  }
0x1: {  	(tag) =	ssettag $0x0;
	lr =	simm.s32 $0x1  }
0x2: {  	[smem:$0x3F9B] =	sst lr;
	_ =	strace $0xD0000000  }
0x3: {  	_ = 	snop  }
0x4: {  	_ = 	snop  }
0x5: {  	_ = 	snop  }
0x6: {  	_ = 	snop  }
0x7: {  	_ = 	snop  }
__scs_overlays_trampoline_lowered:
0x8: {  	[smem:$0x3FAA] =	sst s0  }
0x9: {  	[smem:$0x3FAB] =	sst s1  }
0xa: {  	[smem:$0x3FAC] =	sst s2  }
0xb: {  	[smem:$0x3FAD] =	sst s3  }
0xc: {  	[smem:$0x3FAE] =	sst s4  }
0xd: {  	[smem:$0x3FAF] =	sst s5  }
0xe: {  	[smem:$0x3FB0] =	sst s6  }
0xf: {  	[smem:$0x3FB1] =	sst s7  }
0x10: {  	[smem:$0x3FB2] =	sst s8  }
0x11: {  	[smem:$0x3FB3] =	sst s9;
	s0 =	simm.s32 @!p0 $0x0  }
0x12: {  	s1 =	sld [smem:$0x3F99];
	s0 =	simm.s32 @p0 $0x1  }
0x13: {  	[smem:$0x3FB4] =	sst s0;
	s0 =	simm.s32 @!p1 $0x0  }
0x14: {  	s2 =	sld [smem:$0x3F98];
	s0 =	simm.s32 @p1 $0x1  }
0x15: {  	[smem:$0x3FB5] =	sst s0;
	s0 =	simm.s32 @!p2 $0x0  }
0x16: {  	s3 =	sld [smem:$0x3FDB];
	s0 =	simm.s32 @p2 $0x1  }
0x17: {  	s4 =	simm.s32 $0x1BF5;
	[smem:$0x3FB7] =	sst s0  }
0x18: {  	s0 =	sld [smem:$0x3F9A];
	_ =	swait.ge [sflag:s4], $0x0  }
0x19: {  	s7 =	sld [smem:$0x3F9B]  }
0x1a: {  	s8 =	sadd.s32 $0xFFFFE003, lr  }
0x1b: {  	s9 =	sadd.s32 $0xFFFFFEF7, lr;
	s5 =	simm.s32 $0xFFFFFFFF;
	p2 =	slt.u32 s8, $0xFFFFF086  }
0x1c: {  	p1 =	slt.u32 s9, $0xF7A;
	s5 =	simm.s32 @!p2 $0x0  }
0x1d: {  	s5 =	simm.s32 @p1 $0x1;
	p0 =	seq.s32 s7, s2  }
0x1e: {  	s7 =	smul.u32 @!p0 $0xF7A, s2;
	p2 =	seq.s32 @!p0 s5, $0x0  }
0x1f: {  	s9 =	smul.u32 $0xF7A, s1;
	s8 =	simm.s32 @!p0 $0x1BF5;
	p2 =	por !p2, p0  }
0x20: {  	[sflag:s8] =	ssyncset.s32 @!p0 $0xFFFFF086;
	s6 =	sadd.s32 @!p0 s3, s7;
	s7 =	simm.s32 @!p0 $0x108  }
0x21: {  	s3 =	sadd.s32 s3, s9;
	s6 =	sadd.s32 @!p0 $0x88, s6;
	s7 =	simm.s32 @p2 $0x1082  }
0x22: {  	[simem:s7], [sflag:s8] =	dma.local @!p0 [hbm:s6], $0xF7A  }
0x23: {  	s9 =	sor.u32 $0xD0000000, s2;
	s6 =	simm.s32 $0x108;
	_ =	swait.ge @!p0 [sflag:s8], $0x0  }
0x24: {  	s3 =	sadd.s32 $0x88, s3;
	s6 =	simm.s32 @!p1 $0x1082;
	[sflag:s4] =	ssyncset.s32 $0xFFFFF086  }
0x25: {  	[simem:s6], [sflag:s4] =	dma.local [hbm:s3], $0xF7A  }
0x26: {  	[smem:$0x3F9B] =	sst s1;
	(tag) =	ssettag s2;
	_ =	strace s9  }
0x27: {  	s1 =	sld [smem:$0x3FAB]  }
0x28: {  	s2 =	sld [smem:$0x3FAC]  }
0x29: {  	s4 =	sld [smem:$0x3FAE]  }
0x2a: {  	p0 =	seq.s32 s5, $0x0;
	s5 =	sld [smem:$0x3FAF]  }
0x2b: {  	s6 =	sld [smem:$0x3FB0]  }
0x2c: {  	s7 =	sld [smem:$0x3FB1]  }
0x2d: {  	s3 =	simm.s32 $0x108;
	s8 =	sld [smem:$0x3FB2]  }
0x2e: {  	s3 =	simm.s32 @!p0 $0x1082;
	s9 =	sld [smem:$0x3FB3]  }
0x2f: {  	lr =	sadd.s32 s0, s3;
	s0 =	sld [smem:$0x3FAA]  }
0x30: {  	s3 =	sld [smem:$0x3FAD]  }
0x31: {  	[smem:$0x3FB6] =	sst s10  }
0x32: {  	s10 =	sld [smem:$0x3FB4];
	_ =	sdelay $0x3  }
0x33: {  	p0 =	seq.s32 s10, $0x1;
	s10 =	sld [smem:$0x3FB6];
	_ =	sdelay $0x3  }
0x34: {  	[smem:$0x3FB6] =	sst s10  }
0x35: {  	s10 =	sld [smem:$0x3FB5];
	_ =	sdelay $0x3  }
0x36: {  	p1 =	seq.s32 s10, $0x1;
	s10 =	sld [smem:$0x3FB6];
	_ =	sdelay $0x3  }
0x37: {  	[smem:$0x3FB6] =	sst s10  }
0x38: {  	s10 =	sld [smem:$0x3FB7]  }
0x39: {  	_ = 	snop;
	(pc) =	sbr.ind lr, $3  }
0x3a: {  	_ = 	snop  }
0x3b: {  	_ = 	snop  }
0x3c: {  	p2 =	seq.s32 s10, $0x1;
	s10 =	sld [smem:$0x3FB6]  }
0x3d: {  	_ =	shalt  }
0x3e: {  	_ =	shalt  }
0x3f: {  	_ =	shalt  }
0x40: {  	_ =	shalt  }
0x41: {  	_ =	shalt  }
0x42: {  	_ =	shalt  }
0x43: {  	_ =	shalt  }
0x44: {  	_ =	shalt  }
0x45: {  	_ =	shalt  }
0x46: {  	_ =	shalt  }
0x47: {  	_ =	shalt  }
0x48: {  	_ =	shalt  }
0x49: {  	_ =	shalt  }
0x4a: {  	_ =	shalt  }
0x4b: {  	_ =	shalt  }
0x4c: {  	_ =	shalt  }
0x4d: {  	_ =	shalt  }
0x4e: {  	_ =	shalt  }
0x4f: {  	_ =	shalt  }
0x50: {  	_ =	shalt  }
0x51: {  	_ =	shalt  }
0x52: {  	_ =	shalt  }
0x53: {  	_ =	shalt  }
0x54: {  	_ =	shalt  }
0x55: {  	_ =	shalt  }
0x56: {  	_ =	shalt  }
0x57: {  	_ =	shalt  }
0x58: {  	_ =	shalt  }
0x59: {  	_ =	shalt  }
0x5a: {  	_ =	shalt  }
0x5b: {  	_ =	shalt  }
0x5c: {  	_ =	shalt  }
0x5d: {  	_ =	shalt  }
0x5e: {  	_ =	shalt  }
0x5f: {  	_ =	shalt  }
0x60: {  	_ =	shalt  }
0x61: {  	_ =	shalt  }
0x62: {  	_ =	shalt  }
0x63: {  	_ =	shalt  }
0x64: {  	_ =	shalt  }
0x65: {  	_ =	shalt  }
0x66: {  	_ =	shalt  }
0x67: {  	_ =	shalt  }
0x68: {  	_ =	shalt  }
0x69: {  	_ =	shalt  }
0x6a: {  	_ =	shalt  }
0x6b: {  	_ =	shalt  }
0x6c: {  	_ =	shalt  }
0x6d: {  	_ =	shalt  }
0x6e: {  	_ =	shalt  }
0x6f: {  	_ =	shalt  }
0x70: {  	_ =	shalt  }
0x71: {  	_ =	shalt  }
0x72: {  	_ =	shalt  }
0x73: {  	_ =	shalt  }
0x74: {  	_ =	shalt  }
0x75: {  	_ =	shalt  }
0x76: {  	_ =	shalt  }
0x77: {  	_ =	shalt  }
0x78: {  	_ =	shalt  }
0x79: {  	_ =	shalt  }
0x7a: {  	_ =	shalt  }
0x7b: {  	_ =	shalt  }
0x7c: {  	_ =	shalt  }
0x7d: {  	_ =	shalt  }
0x7e: {  	_ =	shalt  }
0x7f: {  	_ =	shalt  }
0x80: {  	_ =	shalt  }
0x81: {  	_ =	shalt  }
0x82: {  	_ =	shalt  }
0x83: {  	_ =	shalt  }
0x84: {  	_ =	shalt  }
0x85: {  	_ =	shalt  }
0x86: {  	_ =	shalt  }
0x87: {  	_ =	shalt  }
.Lfunc_end0:
.L_simem_size_0:
called_computation_lowered:
.L_overlay_start_0:
0x88: {  	s2 =	sld [smem:$0x3FD9]  }
0x89: {  	s3 =	sld [smem:$0x3FFE];
	_ =	sdelay $0x1  }
0x8a: {  	s1 =	srdreg.scid  }
0x8b: {  	s0 =	sand.u32 $0x1, s1  }
0x8c: {  	s17 =	sshll.u32 s0, $0xA;
	s2 =	sadd.s32 s3, s2  }
0x8d: {  	s2 =	sadd.s32 s2, s17  }
0x8e: {  	[smem:$0x3FC2] =	sst s2  }
0x8f: {  	_ = 	snop  }
0x90: {  	s2 =	sld [smem:$0x3FD0];
	(tm) =	ssettm $0x1  }
0x91: {  	s18 =	sld [smem:$0x3FFB];
	_ =	sdelay $0x3  }
0x92: {  	_ =	strace s18  }
0x93: {  	s3 =	sld [smem:$0x3FFC];
	_ =	sdelay $0x3  }
0x94: {  	_ =	strace s3  }
0x95: {  	s3 =	sld [smem:$0x3FFD];
	_ =	sdelay $0x3  }
0x96: {  	_ =	strace s3  }
0x97: {  	_ =	strace $0x8FFFFFFF  }
0x98: {  	s19 =	sld [smem:$0x3FDB];
	_ =	sdelay $0x1  }
0x99: {  	s4 =	simm.s32 $_scs_section_size  }
0x9a: {  	s5 =	simm.s32 $_size__tile_overlayer_lowered;
	s6 =	simm.s32 $_tile_overlayer_lowered  }
0x9b: {  	s22 =	simm.s32 $0x1BFF;
	s21 =	sshll.u32 s6, $0x1;
	s3 =	sadd.s32 s4, s19  }
0x9c: {  	s7 =	simm.s32 $0x0;
	s20 =	sshll.u32 s5, $0x1;
	s5 =	sadd.s32 s21, s3  }
0x9d: {  	[timem:s7], [sflag:s22] =	dma.local [hbm:s5], s20  }
0x9e: {  	_ =	swait.ge [sflag:s22], s20  }
0x9f: {  	s4 =	ssub.s32 $0x0, s20;
	[sflag:s22] =	ssyncset.done $0x0  }
0xa0: {  	[sflag:s22] =	ssyncadd.s32 s4;
	_ =	sdelay $0x1  }
0xa1: {  	s23 =	simm.s32 $0x1B8B  }
0xa2: {  	_ =	swait.ge [sflag:s23], $0x1  }
0xa3: {  	[sflag:s23] =	ssyncset.done $0x0  }
0xa4: {  	s25 =	simm.s32 $0x1B8E;
	s24 =	sld [smem:$0x3FFE];
	[sflag:s23] =	ssyncadd.s32 $0xFFFFFFFF  }
0xa5: {  	s26 =	simm.s32 $execute0_lowered;
	[smem:$0x3FD2] =	sst s25  }
0xa6: {  	s5 =	sshll.u32 s26, $0x1;
	_ =	strace $0x80000046;
	[dreg:$0x1] =	wrdreg $0xFFFFFFFF  }
0xa7: {  	s28 =	simm.s32 $_size_execute0_lowered;
	s3 =	sadd.s32 s3, s5;
	[dreg:$0x0] =	wrdreg $0x0  }
0xa8: {  	s5 =	sshll.u32 s28, $0x1;
	[dreg:$0x2] =	wrdreg s3  }
0xa9: {  	[dreg:$0x3] =	wrdreg s5  }
0xaa: {  	[dreg:$0x4] =	wrdreg $0xC0  }
0xab: {  	_ =	task [dreg:s7], $0x5FFFF  }
0xac: {  	[dreg:$0x1] =	wrdreg $0xFFFFFFFF  }
0xad: {  	[dreg:$0x0] =	wrdreg $0x60  }
0xae: {  	[dreg:$0x2] =	wrdreg s2  }
0xaf: {  	[dreg:$0x3] =	wrdreg s24  }
0xb0: {  	[dreg:$0x4] =	wrdreg $0x9  }
0xb1: {  	_ =	task.clear_ibuf [dreg:s7], $0x5FFFF;
	_ =	strace $0x90000046  }
0xb2: {  	s29 =	simm.s32 $0x9;
	_ =	strace $0x80000048  }
0xb3: {  	_ =	swait.ge [sflag:s29], $0x1  }
0xb4: {  	[sflag:s29] =	ssyncadd.s32 $0xFFFFFFFF  }
0xb5: {  	_ =	strace $0x90000048  }
0xb6: {  	_ =	sfence  }
0xb7: {  	s30 =	sld [smem:$0x0];
	_ =	sdelay $0x2  }
0xb8: {  	s31 =	sshll.u32 s1, $0xD;
	s1 =	sshrl.u32 s1, $0x2  }
0xb9: {  	s3 =	sand.u32 $0x4000, s31;
	s1 =	sadd.s32 s1, s30  }
0xba: {  	s0 =	sor.u32 s3, s0;
	s1 =	sshll.u32 s1, $0x11  }
0xbb: {  	s0 =	sor.u32 s1, s0  }
0xbc: {  	s0 =	sadd.s32 $0x8F2B, s0  }
0xbd: {  	[sflag:s0] =	ssyncadd.remote.s32 $0x1  }
0xbe: {  	_ =	sfence.sel $0xFFFF  }
0xbf: {  	[dreg:$0x0] =	wrdreg $0xFFFFFFFF;
	(pc) =	sbr.abs _section_cstart, $3  }
0xc0: {  	[dreg:$0x1] =	wrdreg $0xFFFFFFFF  }
0xc1: {  	_ =	task.clear_ibuf [dreg:s7], $0x2FFFF;
	_ =	strace $0x9FFFFFFF  }
0xc2: {  	(tm) =	ssettm $0x7FFFFFFF  }
0xc3: {  	_ =	shalt  }
tec
execute0_lowered:
.L_overlay_start_1:
0x0: {  	(tag) =	ssettag $0x1  }
0x1: {  	s4 =	rddreg [dreg:$0x0]  }
0x2: {  	s0 =	srdreg.scid;
	s5 =	rddreg [dreg:$0x1]  }
0x3: {  	s11 =	simm.s32 $0x0;
	s3 =	sand.u32 $0x1, s0;
	s0 =	stileid.u32  }
0x4: {  	s1 =	sshll.u32 s3, $0x4;
	s7 =	sshll.u32 s0, $0x7;
	s8 =	smul.u32 $0x30000, s3  }
0x5: {  	s29 =	ssub.s32 $0x2, s3;
	s9 =	smul.u32 $0x3000, s0;
	p0 =	seq.s32 s3, $0x0  }
0x6: {  	s3 =	simm.s32 $0x3F;
	s2 =	sor.u32 s0, s1;
	s1 =	rddreg [dreg:$0x2]  }
0x7: {  	s7 =	sand.u32 $0x380, s7;
	s10 =	sshrl.u32 s29, $0x1;
	s6 =	sshrl.u32 s2, $0x3  }
0x8: {  	s3 =	simm.s32 @!p0 $0x5E;
	s2 =	simm.s32 $0x0;
	s6 =	smul.u32 $0x14000, s6  }
0x9: {  	s30 =	ssub.s32 s29, s10;
	s31 =	sadd.s32 s9, s8;
	s8 =	simm.s32 $0x3000  }
0xa: {  	s9 =	simm.s32 $0x80;
	s10 =	simm.s32 $0x400;
	s6 =	sor.u32 s7, s6  }
0xb: {  	[smem:$0x7FF] =	sst s2;
	s7 =	sshrl.u32 s31, $0x3;
	s6 =	sshrl.u32 s6, $0x3  }
0xc: {  	_ =	strace $0x80000047;
	s4 =	sadd.s32 s4, s7;
	s5 =	sadd.s32 s6, s5  }
0xd: {  	v0 =	vimm.f32 $0.0e+00;
	v1 =	vimm.f32 $1.000000000e+00;
	s7 =	simm.s32 $0x1;
	s6 =	smax.u32 s30, $0x1;
	s5 =	sadd.s32 $0xDA00, s5  }
.LBB2_1:
0xe: {  	[tilespmem:s2], [sflag:$0x1] =	stream.linear.gather [hbm4b:s4+s2], $0x2F00, $0x38;
	[tilespmem:$0x5800] =	vst v63  }
0xf: {  	_ =	swait.ge [sflag:s7], $0x2F00  }
0x10: {  	[sflag:s7] =	ssyncset.done $0x0  }
0x11: {  	s12 =	simm.s32 $0x0;
	[sflag:s7] =	ssyncadd.s32 $0xFFFFD100  }
.LBB2_2:
0x12: {  	p0 =	sne.s32 s12, $0x9FC0  }
.Ltmp0:
0x13: {  	_ = 	snop;
	(pc) =	sbr.rel @p0 .LBB2_2-.Ltmp0, $3  }
0x14: {  	_ =	sdelay $0x1  }
0x15: {  	s13 =	sshra.s32 s12, $0x2  }
0x16: {  	s12 =	sadd.s32 $0x40, s12;
	[tilespmem:s13+$0x3000] =	vst v0  }
0x17: {  	s12 =	simm.s32 $0x40;
	s13 =	smov.u32 s3  }
.LBB2_4:
0x18: {  	v2 =	vld [tilespmem:s12+$0xFFFFFFC0];
	_ =	sdelay $0x7  }
0x19: {  	[tilespmem:v2+s8+$0x0] =	vst.idx.add.f32.msk $0xffff, v1  }
0x1a: {  	v2 =	vld [tilespmem:s12+$0xFFFFFFD0];
	_ =	sdelay $0x7  }
0x1b: {  	[tilespmem:v2+s8+$0x0] =	vst.idx.add.f32.msk $0xffff, v1  }
0x1c: {  	v2 =	vld [tilespmem:s12+$0xFFFFFFE0];
	_ =	sdelay $0x7  }
0x1d: {  	[tilespmem:v2+s8+$0x0] =	vst.idx.add.f32.msk $0xffff, v1  }
0x1e: {  	v2 =	vld [tilespmem:s12+$0xFFFFFFF0];
	_ =	sdelay $0x7  }
0x1f: {  	[tilespmem:v2+s8+$0x0] =	vst.idx.add.f32.msk $0xffff, v1  }
0x20: {  	v2 =	vld [tilespmem:s12+$0x0];
	_ =	sdelay $0x7  }
0x21: {  	[tilespmem:v2+s8+$0x0] =	vst.idx.add.f32.msk $0xffff, v1  }
0x22: {  	v2 =	vld [tilespmem:s12+$0x10];
	_ =	sdelay $0x7  }
0x23: {  	[tilespmem:v2+s8+$0x0] =	vst.idx.add.f32.msk $0xffff, v1  }
0x24: {  	v2 =	vld [tilespmem:s12+$0x20];
	_ =	sdelay $0x7  }
0x25: {  	[tilespmem:v2+s8+$0x0] =	vst.idx.add.f32.msk $0xffff, v1  }
0x26: {  	v2 =	vld [tilespmem:s12+$0x30];
	_ =	sdelay $0x2  }
0x27: {  	p0 =	sne.s32 s13, $0x1  }
.Ltmp1:
0x28: {  	_ = 	snop;
	(pc) =	sbr.rel @p0 .LBB2_4-.Ltmp1, $2  }
0x29: {  	_ =	sdelay $0x2  }
0x2a: {  	s13 =	sadd.s32 $0xFFFFFFFF, s13;
	s12 =	sadd.s32 $0x80, s12;
	[tilespmem:v2+s8+$0x0] =	vst.idx.add.f32.msk $0xffff, v1  }
0x2b: {  	s11 =	sadd.s32 $0x1, s11  }
0x2c: {  	p0 =	sne.s32 s11, s6  }
.Ltmp2:
0x2d: {  	_ = 	snop;
	(pc) =	sbr.rel @p0 .LBB2_1-.Ltmp2, $4  }
0x2e: {  	[hbm4b:s5+s9] =	stream.strided.scatter [tilespmem:s8], [sflag:$0x1], $0x2800, s10, s9, $0x38;
	[tilespmem:$0x5800] =	vst v63  }
0x2f: {  	_ =	swait.ge [sflag:s7], $0x2800  }
0x30: {  	[sflag:s7] =	ssyncset.done $0x0  }
0x31: {  	[sflag:s7] =	ssyncadd.s32 $0xFFFFD800  }
0x32: {  	_ =	sfence.sel $0x180000  }
0x33: {  	[bflag:$0x0] =	sbarrier.arrive $0xFFFF  }
0x34: {  	p0 =	sne.s32 s0, $0x0;
	_ =	strace $0x90000047  }
0x35: {  	s0 =	sadd.s32 @!p0 $0x100000, s1;
	[bflag:$0x2] =	sbarrier.arrive $0xFFFF  }
0x36: {  	[sflag:s0] =	ssyncadd.tile.s32 @!p0 $0x1;
	_ =	shalt  }
.Lfunc_end2:
_tile_overlayer_lowered:
.L_overlay_start_2:
0x37: {  	(tag) =	ssettag $0x2  }
0x38: {  	s0 =	rddreg [dreg:$0x0];
	s2 =	stileid.u32  }
0x39: {  	s1 =	rddreg [dreg:$0x1];
	p0 =	sne.s32 s2, $0x0  }
0x3a: {  	s3 =	rddreg [dreg:$0x2];
	[bflag:$0x3] =	sbarrier.arrive $0xFFFF;
	s2 =	simm.s32 @!p0 $0x1C01  }
0x3b: {  	[timem:s3], [sflag:s2] =	dma.local @!p0 [hbm:s0], s1  }
0x3c: {  	s0 =	simm.s32 @!p0 $0x1  }
0x3d: {  	_ =	swait.ge @!p0 [sflag:s0], s1  }
0x3e: {  	s1 =	ssub.s32 @!p0 $0x0, s1;
	[sflag:s0] =	ssyncset.done @!p0 $0x0  }
0x3f: {  	[sflag:s0] =	ssyncadd.s32 @!p0 s1  }
0x40: {  	[bflag:$0x3] =	sbarrier.arrive $0xFFFF  }
0x41: {  	_ =	shalt  }

</sc_bundles>
